<compile_context>
chip_gen: v7x
topology: tpu7x:2x2x1
jax: 0.10.2.dev20260603
libtpu: 0.0.44.dev20260713+nightly
codegen_flags: <defaults>
</compile_context>

<pallas_src>
import functools

import jax
import jax.numpy as jnp
from jax import lax
from jax.experimental import pallas as pl
from jax.experimental.pallas import tpu as pltpu
from jax.experimental.pallas import tpu_sc as plsc

N = 10000
D = 128
H = 256
K = 16
E = 320000

NC = 2
NS = 16
NW = NC * NS
CHUNK = 128
TOTCH = 2560
CHD = TOTCH // NW
EPAD = TOTCH * CHUNK
NDUMP = 240
NP = 10240
RPS = NP // NS
NPD = 10240
RPSD = NPD // NS

ROWBLK = 1000
GB = N // ROWBLK

_mesh = plsc.VectorSubcoreMesh(
    core_axis_name="c", subcore_axis_name="s", num_cores=NC, num_subcores=NS
)


@functools.partial(
    pl.kernel,
    out_type=jax.ShapeDtypeStruct((NC, NPD), jnp.float32),
    mesh=_mesh,
    scratch_types=[
        pltpu.VMEM((CHD, CHUNK), jnp.int32),
        pltpu.VMEM((CHUNK,), jnp.float32),
        pltpu.VMEM_SHARED((NPD,), jnp.float32),
    ],
)
def _sc_degree(dstw, zer, out, didx, ones_v, dacc):
    cid = lax.axis_index("c")
    sid = lax.axis_index("s")
    wid = cid * NS + sid
    pltpu.sync_copy(zer.at[pl.ds(sid * RPSD, RPSD)], dacc.at[pl.ds(sid * RPSD, RPSD)])
    pltpu.sync_copy(dstw.at[pl.ds(wid * CHD, CHD)], didx)

    def initones(i, c):
        ones_v[pl.ds(i * 16, 16)] = jnp.ones((16,), jnp.float32)
        return c

    lax.fori_loop(0, CHUNK // 16, initones, 0)
    plsc.subcore_barrier()

    def body(j, c):
        pltpu.sync_copy(ones_v, dacc.at[didx.at[j]], add=True)
        return c

    lax.fori_loop(0, CHD, body, 0)
    plsc.subcore_barrier()
    pltpu.sync_copy(dacc.at[pl.ds(sid * RPSD, RPSD)], out.at[cid, pl.ds(sid * RPSD, RPSD)])


@functools.partial(
    pl.kernel,
    out_type=jax.ShapeDtypeStruct((NC, NP, D), jnp.float32),
    mesh=_mesh,
    scratch_types=[
        pltpu.VMEM((CHD, CHUNK), jnp.int32),
        pltpu.VMEM((CHD, CHUNK), jnp.int32),
        pltpu.VMEM((CHUNK, D), jnp.float32),
        pltpu.VMEM_SHARED((NP, D), jnp.float32),
        pltpu.SemaphoreType.DMA,
    ],
)
def _sc_spmm(hp, srcw, dstw, zer, out, sidx, didx, rows, acc, sem):
    cid = lax.axis_index("c")
    sid = lax.axis_index("s")
    wid = cid * NS + sid
    pltpu.sync_copy(zer.at[pl.ds(sid * RPS, RPS)], acc.at[pl.ds(sid * RPS, RPS)])
    pltpu.sync_copy(srcw.at[pl.ds(wid * CHD, CHD)], sidx)
    pltpu.sync_copy(dstw.at[pl.ds(wid * CHD, CHD)], didx)
    plsc.subcore_barrier()

    def body(j, c):
        pltpu.async_copy(hp.at[sidx.at[j]], rows, sem).wait()
        pltpu.sync_copy(rows, acc.at[didx.at[j]], add=True)
        return c

    lax.fori_loop(0, CHD, body, 0)
    plsc.subcore_barrier()
    pltpu.sync_copy(acc.at[pl.ds(sid * RPS, RPS)], out.at[cid, pl.ds(sid * RPS, RPS)])


def _dinv_body(d0, d1, o):
    o[...] = lax.rsqrt(d0[...] + d1[...] + 1.0)


def _dinv(d0, d1):
    return pl.pallas_call(
        _dinv_body,
        out_shape=jax.ShapeDtypeStruct(d0.shape, jnp.float32),
    )(d0, d1)


def _mm_scale_body(h, w, dv, o):
    o[...] = (
        jnp.dot(h[...], w[...], preferred_element_type=jnp.float32,
                precision=lax.Precision.HIGHEST)
        * dv[...]
    )


def _mm_scale(h, w, dinv_col):
    return pl.pallas_call(
        _mm_scale_body,
        grid=(GB,),
        in_specs=[
            pl.BlockSpec((ROWBLK, D), lambda i: (i, 0)),
            pl.BlockSpec((D, D), lambda i: (0, 0)),
            pl.BlockSpec((ROWBLK, 1), lambda i: (i, 0)),
        ],
        out_specs=pl.BlockSpec((ROWBLK, D), lambda i: (i, 0)),
        out_shape=jax.ShapeDtypeStruct((N, D), jnp.float32),
    )(h, w, dinv_col)


def _finish_body(a0, a1, hp, dv, b, g, be, res, o):
    t = (a0[...] + a1[...] + hp[...]) * dv[...] + b[...]
    mu = jnp.mean(t, axis=-1, keepdims=True)
    xc = t - mu
    var = jnp.mean(xc * xc, axis=-1, keepdims=True)
    y = xc * lax.rsqrt(var + 1e-5) * g[...] + be[...]
    e = jnp.where(y > 0, y, jnp.exp(y) - 1.0)
    o[...] = e + res[...]


def _finish(a0, a1, hp, dinv_col, b, g, be, res):
    blk = lambda i: (i, 0)
    return pl.pallas_call(
        _finish_body,
        grid=(GB,),
        in_specs=[
            pl.BlockSpec((ROWBLK, D), blk),
            pl.BlockSpec((ROWBLK, D), blk),
            pl.BlockSpec((ROWBLK, D), blk),
            pl.BlockSpec((ROWBLK, 1), blk),
            pl.BlockSpec((1, D), lambda i: (0, 0)),
            pl.BlockSpec((1, D), lambda i: (0, 0)),
            pl.BlockSpec((1, D), lambda i: (0, 0)),
            pl.BlockSpec((ROWBLK, D), blk),
        ],
        out_specs=pl.BlockSpec((ROWBLK, D), blk),
        out_shape=jax.ShapeDtypeStruct((N, D), jnp.float32),
    )(a0, a1, hp, dinv_col, b, g, be, res)


def _head_body(h, w1, b1, g, be, w2, b2, o):
    m = (
        jnp.dot(h[...], w1[...], preferred_element_type=jnp.float32,
                precision=lax.Precision.HIGHEST)
        + b1[...]
    )
    mu = jnp.mean(m, axis=-1, keepdims=True)
    xc = m - mu
    var = jnp.mean(xc * xc, axis=-1, keepdims=True)
    y = xc * lax.rsqrt(var + 1e-5) * g[...] + be[...]
    e = jnp.where(y > 0, y, jnp.exp(y) - 1.0)
    lg = (
        jnp.dot(e, w2[...], preferred_element_type=jnp.float32,
                precision=lax.Precision.HIGHEST)
        + b2[...]
    )
    z = lg - jnp.max(lg, axis=-1, keepdims=True)
    ez = jnp.exp(z)
    o[...] = ez / jnp.sum(ez, axis=-1, keepdims=True)


def _head(h, w1, b1, g, be, w2, b2):
    return pl.pallas_call(
        _head_body,
        grid=(GB,),
        in_specs=[
            pl.BlockSpec((ROWBLK, D), lambda i: (i, 0)),
            pl.BlockSpec((D, H), lambda i: (0, 0)),
            pl.BlockSpec((1, H), lambda i: (0, 0)),
            pl.BlockSpec((1, H), lambda i: (0, 0)),
            pl.BlockSpec((1, H), lambda i: (0, 0)),
            pl.BlockSpec((H, K), lambda i: (0, 0)),
            pl.BlockSpec((1, K), lambda i: (0, 0)),
        ],
        out_specs=pl.BlockSpec((ROWBLK, K), lambda i: (i, 0)),
        out_shape=jax.ShapeDtypeStruct((N, K), jnp.float32),
    )(h, w1, b1, g, be, w2, b2)


def kernel(x, edge_index, W1, b1, g1, be1, W2, b2, g2, be2, Wm1, bm1, gm, bem, Wm2, bm2):
    src = edge_index[0]
    dst = edge_index[1]
    pad = EPAD - E
    ppat = jnp.arange(pad, dtype=jnp.int32)
    srcw = jnp.concatenate([src, ppat % CHUNK]).reshape(TOTCH, CHUNK)
    dstw = jnp.concatenate([dst, N + ppat % NDUMP]).reshape(TOTCH, CHUNK)
    zer2 = jnp.zeros((NP, D), jnp.float32)
    zer1 = jnp.zeros((NPD,), jnp.float32)

    degp = _sc_degree(dstw, zer1)
    dinv2d = _dinv(degp[0].reshape(NPD // 128, 128), degp[1].reshape(NPD // 128, 128))
    dinv_col = dinv2d.reshape(NPD)[:N].reshape(N, 1)

    b1r, g1r, be1r = b1.reshape(1, D), g1.reshape(1, D), be1.reshape(1, D)
    b2r, g2r, be2r = b2.reshape(1, D), g2.reshape(1, D), be2.reshape(1, D)

    h = x
    for (W, bb, gg, bebe) in ((W1, b1r, g1r, be1r), (W2, b2r, g2r, be2r)):
        hp = _mm_scale(h, W, dinv_col)
        agg = _sc_spmm(hp, srcw, dstw, zer2)
        h = _finish(agg[0, :N], agg[1, :N], hp, dinv_col, bb, gg, bebe, h)

    return _head(
        h, Wm1, bm1.reshape(1, H), gm.reshape(1, H), bem.reshape(1, H),
        Wm2, bm2.reshape(1, K),
    )

# --- scband reference (transcript-rebuilt; emitter-appended) ---
"""Pipeline reference for scband-gnnpool-67413806678385 (READ-ONLY COPY).

The authoritative reference and input builder live on the scoring server;
editing this copy changes nothing except your own understanding.
"""

import jax, jax.numpy as jnp
import numpy as np

N = 10000
E = 320000
D = 128
H = 256
K = 16


def setup_inputs(seed: int = 0) -> dict:
    key = jax.random.key(seed)
    ks = jax.random.split(key, 8)
    inp = {}
    inp["x"] = jax.random.normal(ks[0], (N, D), dtype=jnp.float32)
    inp["edge_index"] = jax.random.randint(ks[1], (2, E), 0, N, dtype=jnp.int32)
    s = 1.0 / np.sqrt(D)
    inp["W1"] = jax.random.normal(ks[2], (D, D), dtype=jnp.float32) * s
    inp["b1"] = jnp.zeros((D,), dtype=jnp.float32)
    inp["g1"] = jnp.ones((D,), dtype=jnp.float32)
    inp["be1"] = jnp.zeros((D,), dtype=jnp.float32)
    inp["W2"] = jax.random.normal(ks[3], (D, D), dtype=jnp.float32) * s
    inp["b2"] = jnp.zeros((D,), dtype=jnp.float32)
    inp["g2"] = jnp.ones((D,), dtype=jnp.float32)
    inp["be2"] = jnp.zeros((D,), dtype=jnp.float32)
    inp["Wm1"] = jax.random.normal(ks[4], (D, H), dtype=jnp.float32) * s
    inp["bm1"] = jnp.zeros((H,), dtype=jnp.float32)
    inp["gm"] = jnp.ones((H,), dtype=jnp.float32)
    inp["bem"] = jnp.zeros((H,), dtype=jnp.float32)
    inp["Wm2"] = jax.random.normal(ks[5], (H, K), dtype=jnp.float32) * (1.0 / np.sqrt(H))
    inp["bm2"] = jnp.zeros((K,), dtype=jnp.float32)
    return inp


def _layer_norm(x, g, b):
    mu = x.mean(-1, keepdims=True)
    var = ((x - mu) ** 2).mean(-1, keepdims=True)
    return (x - mu) / jnp.sqrt(var + 1e-5) * g + b


def _gcn_conv(x, src, dst, W, b):
    # GCNConv with self-loops already appended to (src, dst):
    # symmetric normalization D^{-1/2} A_hat D^{-1/2}
    h = x @ W
    deg = jax.ops.segment_sum(jnp.ones(src.shape[0], dtype=jnp.float32), dst, num_segments=N)
    dinv = jnp.where(deg > 0, deg ** -0.5, 0.0)
    norm = dinv[src] * dinv[dst]
    msg = h[src] * norm[:, None]
    out = jax.ops.segment_sum(msg, dst, num_segments=N)
    return out + b


def reference(x, edge_index, W1, b1, g1, be1, W2, b2, g2, be2, Wm1, bm1, gm, bem, Wm2, bm2):
    loop = jnp.arange(N, dtype=edge_index.dtype)
    src = jnp.concatenate([edge_index[0], loop])
    dst = jnp.concatenate([edge_index[1], loop])
    h = x
    # layer 1 (input_dim == conv_hidden so res_proj is None)
    h1 = jax.nn.elu(_layer_norm(_gcn_conv(h, src, dst, W1, b1), g1, be1))
    h = h1 + h
    # layer 2
    h2 = jax.nn.elu(_layer_norm(_gcn_conv(h, src, dst, W2, b2), g2, be2))
    h = h2 + h
    # MLP head (dropout inactive at inference)
    m = jax.nn.elu(_layer_norm(h @ Wm1 + bm1, gm, bem))
    logits = m @ Wm2 + bm2
    return jax.nn.softmax(logits, axis=1)

if __name__ == "__main__":
    import jax
    _d = setup_inputs()
    print(jax.jit(kernel)(*tuple(_d.values())))

</pallas_src>

<mosaic_0001>
#map = affine_map<(d0, d1) -> (0, 0)>
#map1 = affine_map<(d0, d1) -> (0)>
module attributes {stable_mosaic.version = 14 : i64} {
  func.func @_sc_degree(%arg0: i32, %arg1: i32, %arg2: memref<2560x128xi32, #tpu.memory_space<hbm>>, %arg3: memref<10240xf32, #tpu.memory_space<hbm>>, %arg4: memref<2x10240xf32, #tpu.memory_space<hbm>>, %arg5: memref<80x128xi32, #tpu.memory_space<vmem>>, %arg6: memref<128xf32, #tpu.memory_space<vmem>>, %arg7: memref<10240xf32, #tpu.memory_space<vmem_shared>>) attributes {dimension_semantics = [#tpu.dimension_semantics<core_parallel>, #tpu.dimension_semantics<subcore_parallel>], iteration_bounds = array<i64: 2, 16>, scalar_prefetch = 0 : i64, scratch_operands = 3 : i64, tpu.core_type = #tpu.core_type<sc_vector_subcore>, window_params = [{transform_indices = #map}, {transform_indices = #map1}, {transform_indices = #map}]} {
    %mul3A = arith.constant 16 : i32
    %mul3A_0 = arith.muli %arg0, %mul3A : i32
    %add3A = arith.addi %mul3A_0, %arg1 : i32
    %mul3A_1 = arith.constant 640 : i32
    %mul3A_2 = arith.muli %arg1, %mul3A_1 : i32
    %mul3A_3 = arith.constant 640 : i32
    %mul3A_4 = arith.muli %arg1, %mul3A_3 : i32
    "tpu.region"() ({
      %run_scoped3A = tpu.sem_alloc : memref<!tpu.dma_semaphore, #tpu.memory_space<semaphore_mem>>
      %dma_start3A = tpu.memref_slice %arg7[%mul3A_4] : memref<10240xf32, #tpu.memory_space<vmem_shared>> -> memref<640xf32, #tpu.memory_space<vmem_shared>>
      %dma_start3A_23 = tpu.memref_slice %arg3[%mul3A_2] : memref<10240xf32, #tpu.memory_space<hbm>> -> memref<640xf32, #tpu.memory_space<hbm>>
      tpu.enqueue_dma source(%dma_start3A_23 : memref<640xf32, #tpu.memory_space<hbm>>) target(%dma_start3A : memref<640xf32, #tpu.memory_space<vmem_shared>>) target_semaphore(%run_scoped3A : memref<!tpu.dma_semaphore, #tpu.memory_space<semaphore_mem>>)
      %dma_wait3A = tpu.memref_slice %arg7[%mul3A_4] : memref<10240xf32, #tpu.memory_space<vmem_shared>> -> memref<640xf32, #tpu.memory_space<vmem_shared>>
      %dma_wait3A_24 = tpu.memref_slice %arg3[%mul3A_2] : memref<10240xf32, #tpu.memory_space<hbm>> -> memref<640xf32, #tpu.memory_space<hbm>>
      tpu.wait_dma2 semaphore(%run_scoped3A : memref<!tpu.dma_semaphore, #tpu.memory_space<semaphore_mem>>) src(%dma_wait3A_24 : memref<640xf32, #tpu.memory_space<hbm>>) dst(%dma_wait3A : memref<640xf32, #tpu.memory_space<vmem_shared>>)
      tpu.yield
    }) : () -> ()
    %mul3A_5 = arith.constant 80 : i32
    %mul3A_6 = arith.muli %add3A, %mul3A_5 : i32
    "tpu.region"() ({
      %run_scoped3A = tpu.sem_alloc : memref<!tpu.dma_semaphore, #tpu.memory_space<semaphore_mem>>
      %dma_start3A = arith.constant 0 : i32
      %dma_start3A_23 = tpu.memref_slice %arg2[%mul3A_6, %dma_start3A] : memref<2560x128xi32, #tpu.memory_space<hbm>> -> memref<80x128xi32, #tpu.memory_space<hbm>>
      %dma_start3A_24 = arith.constant 0 : i32
      %dma_start3A_25 = tpu.memref_slice %arg2[%mul3A_6, %dma_start3A_24] : memref<2560x128xi32, #tpu.memory_space<hbm>> -> memref<80x128xi32, #tpu.memory_space<hbm>>
      tpu.enqueue_dma source(%dma_start3A_25 : memref<80x128xi32, #tpu.memory_space<hbm>>) target(%arg5 : memref<80x128xi32, #tpu.memory_space<vmem>>) target_semaphore(%run_scoped3A : memref<!tpu.dma_semaphore, #tpu.memory_space<semaphore_mem>>)
      %dma_wait3A = arith.constant 0 : i32
      %dma_wait3A_26 = tpu.memref_slice %arg2[%mul3A_6, %dma_wait3A] : memref<2560x128xi32, #tpu.memory_space<hbm>> -> memref<80x128xi32, #tpu.memory_space<hbm>>
      %dma_wait3A_27 = arith.constant 0 : i32
      %dma_wait3A_28 = tpu.memref_slice %arg2[%mul3A_6, %dma_wait3A_27] : memref<2560x128xi32, #tpu.memory_space<hbm>> -> memref<80x128xi32, #tpu.memory_space<hbm>>
      tpu.wait_dma2 semaphore(%run_scoped3A : memref<!tpu.dma_semaphore, #tpu.memory_space<semaphore_mem>>) src(%dma_wait3A_28 : memref<80x128xi32, #tpu.memory_space<hbm>>) dst(%arg5 : memref<80x128xi32, #tpu.memory_space<vmem>>)
      tpu.yield
    }) : () -> ()
    %scan3A = arith.constant 0 : i32
    %scan3A_7 = arith.constant 0 : i32
    %scan3A_8 = arith.constant 8 : i32
    %scan3A_9 = arith.addi %scan3A_7, %scan3A_8 : i32
    %scan3A_10 = arith.constant 1 : i32
    scf.for %scan3A_23 = %scan3A_7 to %scan3A_9 step %scan3A_10  : i32 {
      %broadcast_in_dim3A = arith.constant 1.000000e+00 : f32
      %broadcast_in_dim3A_24 = vector.broadcast %broadcast_in_dim3A : f32 to vector<16xf32>
      %mul3A_25 = arith.constant 16 : i32
      %mul3A_26 = arith.muli %scan3A_23, %mul3A_25 : i32
      %swap3A = arith.index_cast %mul3A_26 : i32 to index
      %swap3A_27 = tpu.vector_load %arg6[%swap3A] {strides = array<i32>} : memref<128xf32, #tpu.memory_space<vmem>>, vector<16xf32>,
      %swap3A_28 = vector.shape_cast %swap3A_27 : vector<16xf32> to vector<16xf32>
      %swap3A_29 = vector.shape_cast %broadcast_in_dim3A_24 : vector<16xf32> to vector<16xf32>
      tpu.vector_store %arg6[%swap3A], %swap3A_29 {strides = array<i32>} : memref<128xf32, #tpu.memory_space<vmem>>, vector<16xf32>,
    }
    %scan3A_11 = arith.constant 8 : i32
    %barrier3A = arith.constant 0 : index
    tpu.barrier barrier_id(%barrier3A)
    %scan3A_12 = arith.constant 0 : i32
    %scan3A_13 = arith.constant 0 : i32
    %scan3A_14 = arith.constant 80 : i32
    %scan3A_15 = arith.addi %scan3A_13, %scan3A_14 : i32
    %scan3A_16 = arith.constant 1 : i32
    scf.for %scan3A_23 = %scan3A_13 to %scan3A_15 step %scan3A_16  : i32 {
      "tpu.region"() ({
        %run_scoped3A = tpu.sem_alloc : memref<!tpu.dma_semaphore, #tpu.memory_space<semaphore_mem>>
        %dma_start3A = arith.constant 0 : i32
        %dma_start3A_24 = tpu.memref_slice %arg5[%scan3A_23, %dma_start3A] : memref<80x128xi32, #tpu.memory_space<vmem>> -> memref<1x128xi32, #tpu.memory_space<vmem>>
        %dma_start3A_25 = tpu.memref_squeeze %dma_start3A_24 : memref<1x128xi32, #tpu.memory_space<vmem>> -> memref<128xi32, #tpu.memory_space<vmem>>
        %dma_start3A_26 = arith.constant 0 : i32
        %dma_start3A_27 = tpu.memref_slice %arg7[%dma_start3A_26] : memref<10240xf32, #tpu.memory_space<vmem_shared>> -> memref<10240xf32, #tpu.memory_space<vmem_shared>>
        tpu.enqueue_indirect_dma source(%arg6 : memref<128xf32, #tpu.memory_space<vmem>>) target(%dma_start3A_27 : memref<10240xf32, #tpu.memory_space<vmem_shared>>) offsets(%dma_start3A_25 : memref<128xi32, #tpu.memory_space<vmem>>) semaphore(%run_scoped3A : memref<!tpu.dma_semaphore, #tpu.memory_space<semaphore_mem>>) {add = true}
        %dma_wait3A = arith.constant 0 : i32
        %dma_wait3A_28 = tpu.memref_slice %arg5[%scan3A_23, %dma_wait3A] : memref<80x128xi32, #tpu.memory_space<vmem>> -> memref<1x128xi32, #tpu.memory_space<vmem>>
        %dma_wait3A_29 = tpu.memref_squeeze %dma_wait3A_28 : memref<1x128xi32, #tpu.memory_space<vmem>> -> memref<128xi32, #tpu.memory_space<vmem>>
        %dma_wait3A_30 = arith.constant 0 : i32
        %dma_wait3A_31 = tpu.memref_slice %arg7[%dma_wait3A_30] : memref<10240xf32, #tpu.memory_space<vmem_shared>> -> memref<10240xf32, #tpu.memory_space<vmem_shared>>
        tpu.wait_indirect_dma semaphore(%run_scoped3A : memref<!tpu.dma_semaphore, #tpu.memory_space<semaphore_mem>>) src(%arg6 : memref<128xf32, #tpu.memory_space<vmem>>) dst(%dma_wait3A_31 : memref<10240xf32, #tpu.memory_space<vmem_shared>>)
        tpu.yield
      }) : () -> ()
    }
    %scan3A_17 = arith.constant 80 : i32
    %barrier3A_18 = arith.constant 0 : index
    tpu.barrier barrier_id(%barrier3A_18)
    %mul3A_19 = arith.constant 640 : i32
    %mul3A_20 = arith.muli %arg1, %mul3A_19 : i32
    %mul3A_21 = arith.constant 640 : i32
    %mul3A_22 = arith.muli %arg1, %mul3A_21 : i32
    "tpu.region"() ({
      %run_scoped3A = tpu.sem_alloc : memref<!tpu.dma_semaphore, #tpu.memory_space<semaphore_mem>>
      %dma_start3A = tpu.memref_slice %arg4[%arg0, %mul3A_22] : memref<2x10240xf32, #tpu.memory_space<hbm>> -> memref<1x640xf32, #tpu.memory_space<hbm>>
      %dma_start3A_23 = tpu.memref_squeeze %dma_start3A : memref<1x640xf32, #tpu.memory_space<hbm>> -> memref<640xf32, #tpu.memory_space<hbm>>
      %dma_start3A_24 = tpu.memref_slice %arg7[%mul3A_20] : memref<10240xf32, #tpu.memory_space<vmem_shared>> -> memref<640xf32, #tpu.memory_space<vmem_shared>>
      tpu.enqueue_dma source(%dma_start3A_24 : memref<640xf32, #tpu.memory_space<vmem_shared>>) target(%dma_start3A_23 : memref<640xf32, #tpu.memory_space<hbm>>) target_semaphore(%run_scoped3A : memref<!tpu.dma_semaphore, #tpu.memory_space<semaphore_mem>>)
      %dma_wait3A = tpu.memref_slice %arg4[%arg0, %mul3A_22] : memref<2x10240xf32, #tpu.memory_space<hbm>> -> memref<1x640xf32, #tpu.memory_space<hbm>>
      %dma_wait3A_25 = tpu.memref_squeeze %dma_wait3A : memref<1x640xf32, #tpu.memory_space<hbm>> -> memref<640xf32, #tpu.memory_space<hbm>>
      %dma_wait3A_26 = tpu.memref_slice %arg7[%mul3A_20] : memref<10240xf32, #tpu.memory_space<vmem_shared>> -> memref<640xf32, #tpu.memory_space<vmem_shared>>
      tpu.wait_dma2 semaphore(%run_scoped3A : memref<!tpu.dma_semaphore, #tpu.memory_space<semaphore_mem>>) src(%dma_wait3A_26 : memref<640xf32, #tpu.memory_space<vmem_shared>>) dst(%dma_wait3A_25 : memref<640xf32, #tpu.memory_space<hbm>>)
      tpu.yield
    }) : () -> ()
    return
  }
}

#map = affine_map<(d0, d1) -> (0, 0)>
#map1 = affine_map<(d0, d1) -> (0, 0, 0)>
module attributes {stable_mosaic.version = 14 : i64} {
  func.func @_sc_spmm(%arg0: i32, %arg1: i32, %arg2: memref<10000x128xf32, #tpu.memory_space<hbm>>, %arg3: memref<2560x128xi32, #tpu.memory_space<hbm>>, %arg4: memref<2560x128xi32, #tpu.memory_space<hbm>>, %arg5: memref<10240x128xf32, #tpu.memory_space<hbm>>, %arg6: memref<2x10240x128xf32, #tpu.memory_space<hbm>>, %arg7: memref<80x128xi32, #tpu.memory_space<vmem>>, %arg8: memref<80x128xi32, #tpu.memory_space<vmem>>, %arg9: memref<128x128xf32, #tpu.memory_space<vmem>>, %arg10: memref<10240x128xf32, #tpu.memory_space<vmem_shared>>, %arg11: memref<!tpu.dma_semaphore, #tpu.memory_space<semaphore_mem>>) attributes {dimension_semantics = [#tpu.dimension_semantics<core_parallel>, #tpu.dimension_semantics<subcore_parallel>], iteration_bounds = array<i64: 2, 16>, scalar_prefetch = 0 : i64, scratch_operands = 5 : i64, tpu.core_type = #tpu.core_type<sc_vector_subcore>, window_params = [{transform_indices = #map}, {transform_indices = #map}, {transform_indices = #map}, {transform_indices = #map}, {transform_indices = #map1}]} {
    %mul3A = arith.constant 16 : i32
    %mul3A_0 = arith.muli %arg0, %mul3A : i32
    %add3A = arith.addi %mul3A_0, %arg1 : i32
    %mul3A_1 = arith.constant 640 : i32
    %mul3A_2 = arith.muli %arg1, %mul3A_1 : i32
    %mul3A_3 = arith.constant 640 : i32
    %mul3A_4 = arith.muli %arg1, %mul3A_3 : i32
    "tpu.region"() ({
      %run_scoped3A = tpu.sem_alloc : memref<!tpu.dma_semaphore, #tpu.memory_space<semaphore_mem>>
      %dma_start3A = arith.constant 0 : i32
      %dma_start3A_19 = tpu.memref_slice %arg10[%mul3A_4, %dma_start3A] : memref<10240x128xf32, #tpu.memory_space<vmem_shared>> -> memref<640x128xf32, #tpu.memory_space<vmem_shared>>
      %dma_start3A_20 = arith.constant 0 : i32
      %dma_start3A_21 = tpu.memref_slice %arg5[%mul3A_2, %dma_start3A_20] : memref<10240x128xf32, #tpu.memory_space<hbm>> -> memref<640x128xf32, #tpu.memory_space<hbm>>
      tpu.enqueue_dma source(%dma_start3A_21 : memref<640x128xf32, #tpu.memory_space<hbm>>) target(%dma_start3A_19 : memref<640x128xf32, #tpu.memory_space<vmem_shared>>) target_semaphore(%run_scoped3A : memref<!tpu.dma_semaphore, #tpu.memory_space<semaphore_mem>>)
      %dma_wait3A = arith.constant 0 : i32
      %dma_wait3A_22 = tpu.memref_slice %arg10[%mul3A_4, %dma_wait3A] : memref<10240x128xf32, #tpu.memory_space<vmem_shared>> -> memref<640x128xf32, #tpu.memory_space<vmem_shared>>
      %dma_wait3A_23 = arith.constant 0 : i32
      %dma_wait3A_24 = tpu.memref_slice %arg5[%mul3A_2, %dma_wait3A_23] : memref<10240x128xf32, #tpu.memory_space<hbm>> -> memref<640x128xf32, #tpu.memory_space<hbm>>
      tpu.wait_dma2 semaphore(%run_scoped3A : memref<!tpu.dma_semaphore, #tpu.memory_space<semaphore_mem>>) src(%dma_wait3A_24 : memref<640x128xf32, #tpu.memory_space<hbm>>) dst(%dma_wait3A_22 : memref<640x128xf32, #tpu.memory_space<vmem_shared>>)
      tpu.yield
    }) : () -> ()
    %mul3A_5 = arith.constant 80 : i32
    %mul3A_6 = arith.muli %add3A, %mul3A_5 : i32
    "tpu.region"() ({
      %run_scoped3A = tpu.sem_alloc : memref<!tpu.dma_semaphore, #tpu.memory_space<semaphore_mem>>
      %dma_start3A = arith.constant 0 : i32
      %dma_start3A_19 = tpu.memref_slice %arg3[%mul3A_6, %dma_start3A] : memref<2560x128xi32, #tpu.memory_space<hbm>> -> memref<80x128xi32, #tpu.memory_space<hbm>>
      %dma_start3A_20 = arith.constant 0 : i32
      %dma_start3A_21 = tpu.memref_slice %arg3[%mul3A_6, %dma_start3A_20] : memref<2560x128xi32, #tpu.memory_space<hbm>> -> memref<80x128xi32, #tpu.memory_space<hbm>>
      tpu.enqueue_dma source(%dma_start3A_21 : memref<80x128xi32, #tpu.memory_space<hbm>>) target(%arg7 : memref<80x128xi32, #tpu.memory_space<vmem>>) target_semaphore(%run_scoped3A : memref<!tpu.dma_semaphore, #tpu.memory_space<semaphore_mem>>)
      %dma_wait3A = arith.constant 0 : i32
      %dma_wait3A_22 = tpu.memref_slice %arg3[%mul3A_6, %dma_wait3A] : memref<2560x128xi32, #tpu.memory_space<hbm>> -> memref<80x128xi32, #tpu.memory_space<hbm>>
      %dma_wait3A_23 = arith.constant 0 : i32
      %dma_wait3A_24 = tpu.memref_slice %arg3[%mul3A_6, %dma_wait3A_23] : memref<2560x128xi32, #tpu.memory_space<hbm>> -> memref<80x128xi32, #tpu.memory_space<hbm>>
      tpu.wait_dma2 semaphore(%run_scoped3A : memref<!tpu.dma_semaphore, #tpu.memory_space<semaphore_mem>>) src(%dma_wait3A_24 : memref<80x128xi32, #tpu.memory_space<hbm>>) dst(%arg7 : memref<80x128xi32, #tpu.memory_space<vmem>>)
      tpu.yield
    }) : () -> ()
    %mul3A_7 = arith.constant 80 : i32
    %mul3A_8 = arith.muli %add3A, %mul3A_7 : i32
    "tpu.region"() ({
      %run_scoped3A = tpu.sem_alloc : memref<!tpu.dma_semaphore, #tpu.memory_space<semaphore_mem>>
      %dma_start3A = arith.constant 0 : i32
      %dma_start3A_19 = tpu.memref_slice %arg4[%mul3A_8, %dma_start3A] : memref<2560x128xi32, #tpu.memory_space<hbm>> -> memref<80x128xi32, #tpu.memory_space<hbm>>
      %dma_start3A_20 = arith.constant 0 : i32
      %dma_start3A_21 = tpu.memref_slice %arg4[%mul3A_8, %dma_start3A_20] : memref<2560x128xi32, #tpu.memory_space<hbm>> -> memref<80x128xi32, #tpu.memory_space<hbm>>
      tpu.enqueue_dma source(%dma_start3A_21 : memref<80x128xi32, #tpu.memory_space<hbm>>) target(%arg8 : memref<80x128xi32, #tpu.memory_space<vmem>>) target_semaphore(%run_scoped3A : memref<!tpu.dma_semaphore, #tpu.memory_space<semaphore_mem>>)
      %dma_wait3A = arith.constant 0 : i32
      %dma_wait3A_22 = tpu.memref_slice %arg4[%mul3A_8, %dma_wait3A] : memref<2560x128xi32, #tpu.memory_space<hbm>> -> memref<80x128xi32, #tpu.memory_space<hbm>>
      %dma_wait3A_23 = arith.constant 0 : i32
      %dma_wait3A_24 = tpu.memref_slice %arg4[%mul3A_8, %dma_wait3A_23] : memref<2560x128xi32, #tpu.memory_space<hbm>> -> memref<80x128xi32, #tpu.memory_space<hbm>>
      tpu.wait_dma2 semaphore(%run_scoped3A : memref<!tpu.dma_semaphore, #tpu.memory_space<semaphore_mem>>) src(%dma_wait3A_24 : memref<80x128xi32, #tpu.memory_space<hbm>>) dst(%arg8 : memref<80x128xi32, #tpu.memory_space<vmem>>)
      tpu.yield
    }) : () -> ()
    %barrier3A = arith.constant 0 : index
    tpu.barrier barrier_id(%barrier3A)
    %scan3A = arith.constant 0 : i32
    %scan3A_9 = arith.constant 0 : i32
    %scan3A_10 = arith.constant 80 : i32
    %scan3A_11 = arith.addi %scan3A_9, %scan3A_10 : i32
    %scan3A_12 = arith.constant 1 : i32
    scf.for %scan3A_19 = %scan3A_9 to %scan3A_11 step %scan3A_12  : i32 {
      %dma_start3A = arith.constant 0 : i32
      %dma_start3A_20 = tpu.memref_slice %arg7[%scan3A_19, %dma_start3A] : memref<80x128xi32, #tpu.memory_space<vmem>> -> memref<1x128xi32, #tpu.memory_space<vmem>>
      %dma_start3A_21 = tpu.memref_squeeze %dma_start3A_20 : memref<1x128xi32, #tpu.memory_space<vmem>> -> memref<128xi32, #tpu.memory_space<vmem>>
      %dma_start3A_22 = arith.constant 0 : i32
      %dma_start3A_23 = arith.constant 0 : i32
      %dma_start3A_24 = tpu.memref_slice %arg2[%dma_start3A_22, %dma_start3A_23] : memref<10000x128xf32, #tpu.memory_space<hbm>> -> memref<10000x128xf32, #tpu.memory_space<hbm>>
      tpu.enqueue_indirect_dma source(%dma_start3A_24 : memref<10000x128xf32, #tpu.memory_space<hbm>>) target(%arg9 : memref<128x128xf32, #tpu.memory_space<vmem>>) offsets(%dma_start3A_21 : memref<128xi32, #tpu.memory_space<vmem>>) semaphore(%arg11 : memref<!tpu.dma_semaphore, #tpu.memory_space<semaphore_mem>>)
      %dma_wait3A = arith.constant 0 : i32
      %dma_wait3A_25 = tpu.memref_slice %arg7[%scan3A_19, %dma_wait3A] : memref<80x128xi32, #tpu.memory_space<vmem>> -> memref<1x128xi32, #tpu.memory_space<vmem>>
      %dma_wait3A_26 = tpu.memref_squeeze %dma_wait3A_25 : memref<1x128xi32, #tpu.memory_space<vmem>> -> memref<128xi32, #tpu.memory_space<vmem>>
      %dma_wait3A_27 = arith.constant 0 : i32
      %dma_wait3A_28 = arith.constant 0 : i32
      %dma_wait3A_29 = tpu.memref_slice %arg2[%dma_wait3A_27, %dma_wait3A_28] : memref<10000x128xf32, #tpu.memory_space<hbm>> -> memref<10000x128xf32, #tpu.memory_space<hbm>>
      tpu.wait_indirect_dma semaphore(%arg11 : memref<!tpu.dma_semaphore, #tpu.memory_space<semaphore_mem>>) src(%dma_wait3A_29 : memref<10000x128xf32, #tpu.memory_space<hbm>>) dst(%arg9 : memref<128x128xf32, #tpu.memory_space<vmem>>)
      "tpu.region"() ({
        %run_scoped3A = tpu.sem_alloc : memref<!tpu.dma_semaphore, #tpu.memory_space<semaphore_mem>>
        %dma_start3A_30 = arith.constant 0 : i32
        %dma_start3A_31 = tpu.memref_slice %arg8[%scan3A_19, %dma_start3A_30] : memref<80x128xi32, #tpu.memory_space<vmem>> -> memref<1x128xi32, #tpu.memory_space<vmem>>
        %dma_start3A_32 = tpu.memref_squeeze %dma_start3A_31 : memref<1x128xi32, #tpu.memory_space<vmem>> -> memref<128xi32, #tpu.memory_space<vmem>>
        %dma_start3A_33 = arith.constant 0 : i32
        %dma_start3A_34 = arith.constant 0 : i32
        %dma_start3A_35 = tpu.memref_slice %arg10[%dma_start3A_33, %dma_start3A_34] : memref<10240x128xf32, #tpu.memory_space<vmem_shared>> -> memref<10240x128xf32, #tpu.memory_space<vmem_shared>>
        tpu.enqueue_indirect_dma source(%arg9 : memref<128x128xf32, #tpu.memory_space<vmem>>) target(%dma_start3A_35 : memref<10240x128xf32, #tpu.memory_space<vmem_shared>>) offsets(%dma_start3A_32 : memref<128xi32, #tpu.memory_space<vmem>>) semaphore(%run_scoped3A : memref<!tpu.dma_semaphore, #tpu.memory_space<semaphore_mem>>) {add = true}
        %dma_wait3A_36 = arith.constant 0 : i32
        %dma_wait3A_37 = tpu.memref_slice %arg8[%scan3A_19, %dma_wait3A_36] : memref<80x128xi32, #tpu.memory_space<vmem>> -> memref<1x128xi32, #tpu.memory_space<vmem>>
        %dma_wait3A_38 = tpu.memref_squeeze %dma_wait3A_37 : memref<1x128xi32, #tpu.memory_space<vmem>> -> memref<128xi32, #tpu.memory_space<vmem>>
        %dma_wait3A_39 = arith.constant 0 : i32
        %dma_wait3A_40 = arith.constant 0 : i32
        %dma_wait3A_41 = tpu.memref_slice %arg10[%dma_wait3A_39, %dma_wait3A_40] : memref<10240x128xf32, #tpu.memory_space<vmem_shared>> -> memref<10240x128xf32, #tpu.memory_space<vmem_shared>>
        tpu.wait_indirect_dma semaphore(%run_scoped3A : memref<!tpu.dma_semaphore, #tpu.memory_space<semaphore_mem>>) src(%arg9 : memref<128x128xf32, #tpu.memory_space<vmem>>) dst(%dma_wait3A_41 : memref<10240x128xf32, #tpu.memory_space<vmem_shared>>)
        tpu.yield
      }) : () -> ()
    }
    %scan3A_13 = arith.constant 80 : i32
    %barrier3A_14 = arith.constant 0 : index
    tpu.barrier barrier_id(%barrier3A_14)
    %mul3A_15 = arith.constant 640 : i32
    %mul3A_16 = arith.muli %arg1, %mul3A_15 : i32
    %mul3A_17 = arith.constant 640 : i32
    %mul3A_18 = arith.muli %arg1, %mul3A_17 : i32
    "tpu.region"() ({
      %run_scoped3A = tpu.sem_alloc : memref<!tpu.dma_semaphore, #tpu.memory_space<semaphore_mem>>
      %dma_start3A = arith.constant 0 : i32
      %dma_start3A_19 = tpu.memref_slice %arg6[%arg0, %mul3A_18, %dma_start3A] : memref<2x10240x128xf32, #tpu.memory_space<hbm>> -> memref<1x640x128xf32, #tpu.memory_space<hbm>>
      %dma_start3A_20 = tpu.memref_squeeze %dma_start3A_19 : memref<1x640x128xf32, #tpu.memory_space<hbm>> -> memref<640x128xf32, #tpu.memory_space<hbm>>
      %dma_start3A_21 = arith.constant 0 : i32
      %dma_start3A_22 = tpu.memref_slice %arg10[%mul3A_16, %dma_start3A_21] : memref<10240x128xf32, #tpu.memory_space<vmem_shared>> -> memref<640x128xf32, #tpu.memory_space<vmem_shared>>
      tpu.enqueue_dma source(%dma_start3A_22 : memref<640x128xf32, #tpu.memory_space<vmem_shared>>) target(%dma_start3A_20 : memref<640x128xf32, #tpu.memory_space<hbm>>) target_semaphore(%run_scoped3A : memref<!tpu.dma_semaphore, #tpu.memory_space<semaphore_mem>>)
      %dma_wait3A = arith.constant 0 : i32
      %dma_wait3A_23 = tpu.memref_slice %arg6[%arg0, %mul3A_18, %dma_wait3A] : memref<2x10240x128xf32, #tpu.memory_space<hbm>> -> memref<1x640x128xf32, #tpu.memory_space<hbm>>
      %dma_wait3A_24 = tpu.memref_squeeze %dma_wait3A_23 : memref<1x640x128xf32, #tpu.memory_space<hbm>> -> memref<640x128xf32, #tpu.memory_space<hbm>>
      %dma_wait3A_25 = arith.constant 0 : i32
      %dma_wait3A_26 = tpu.memref_slice %arg10[%mul3A_16, %dma_wait3A_25] : memref<10240x128xf32, #tpu.memory_space<vmem_shared>> -> memref<640x128xf32, #tpu.memory_space<vmem_shared>>
      tpu.wait_dma2 semaphore(%run_scoped3A : memref<!tpu.dma_semaphore, #tpu.memory_space<semaphore_mem>>) src(%dma_wait3A_26 : memref<640x128xf32, #tpu.memory_space<vmem_shared>>) dst(%dma_wait3A_24 : memref<640x128xf32, #tpu.memory_space<hbm>>)
      tpu.yield
    }) : () -> ()
    return
  }
}

#map = affine_map<(d0, d1) -> (0, 0)>
#map1 = affine_map<(d0, d1) -> (0, 0, 0)>
module attributes {stable_mosaic.version = 14 : i64} {
  func.func @_sc_spmm(%arg0: i32, %arg1: i32, %arg2: memref<10000x128xf32, #tpu.memory_space<hbm>>, %arg3: memref<2560x128xi32, #tpu.memory_space<hbm>>, %arg4: memref<2560x128xi32, #tpu.memory_space<hbm>>, %arg5: memref<10240x128xf32, #tpu.memory_space<hbm>>, %arg6: memref<2x10240x128xf32, #tpu.memory_space<hbm>>, %arg7: memref<80x128xi32, #tpu.memory_space<vmem>>, %arg8: memref<80x128xi32, #tpu.memory_space<vmem>>, %arg9: memref<128x128xf32, #tpu.memory_space<vmem>>, %arg10: memref<10240x128xf32, #tpu.memory_space<vmem_shared>>, %arg11: memref<!tpu.dma_semaphore, #tpu.memory_space<semaphore_mem>>) attributes {dimension_semantics = [#tpu.dimension_semantics<core_parallel>, #tpu.dimension_semantics<subcore_parallel>], iteration_bounds = array<i64: 2, 16>, scalar_prefetch = 0 : i64, scratch_operands = 5 : i64, tpu.core_type = #tpu.core_type<sc_vector_subcore>, window_params = [{transform_indices = #map}, {transform_indices = #map}, {transform_indices = #map}, {transform_indices = #map}, {transform_indices = #map1}]} {
    %mul3A = arith.constant 16 : i32
    %mul3A_0 = arith.muli %arg0, %mul3A : i32
    %add3A = arith.addi %mul3A_0, %arg1 : i32
    %mul3A_1 = arith.constant 640 : i32
    %mul3A_2 = arith.muli %arg1, %mul3A_1 : i32
    %mul3A_3 = arith.constant 640 : i32
    %mul3A_4 = arith.muli %arg1, %mul3A_3 : i32
    "tpu.region"() ({
      %run_scoped3A = tpu.sem_alloc : memref<!tpu.dma_semaphore, #tpu.memory_space<semaphore_mem>>
      %dma_start3A = arith.constant 0 : i32
      %dma_start3A_19 = tpu.memref_slice %arg10[%mul3A_4, %dma_start3A] : memref<10240x128xf32, #tpu.memory_space<vmem_shared>> -> memref<640x128xf32, #tpu.memory_space<vmem_shared>>
      %dma_start3A_20 = arith.constant 0 : i32
      %dma_start3A_21 = tpu.memref_slice %arg5[%mul3A_2, %dma_start3A_20] : memref<10240x128xf32, #tpu.memory_space<hbm>> -> memref<640x128xf32, #tpu.memory_space<hbm>>
      tpu.enqueue_dma source(%dma_start3A_21 : memref<640x128xf32, #tpu.memory_space<hbm>>) target(%dma_start3A_19 : memref<640x128xf32, #tpu.memory_space<vmem_shared>>) target_semaphore(%run_scoped3A : memref<!tpu.dma_semaphore, #tpu.memory_space<semaphore_mem>>)
      %dma_wait3A = arith.constant 0 : i32
      %dma_wait3A_22 = tpu.memref_slice %arg10[%mul3A_4, %dma_wait3A] : memref<10240x128xf32, #tpu.memory_space<vmem_shared>> -> memref<640x128xf32, #tpu.memory_space<vmem_shared>>
      %dma_wait3A_23 = arith.constant 0 : i32
      %dma_wait3A_24 = tpu.memref_slice %arg5[%mul3A_2, %dma_wait3A_23] : memref<10240x128xf32, #tpu.memory_space<hbm>> -> memref<640x128xf32, #tpu.memory_space<hbm>>
      tpu.wait_dma2 semaphore(%run_scoped3A : memref<!tpu.dma_semaphore, #tpu.memory_space<semaphore_mem>>) src(%dma_wait3A_24 : memref<640x128xf32, #tpu.memory_space<hbm>>) dst(%dma_wait3A_22 : memref<640x128xf32, #tpu.memory_space<vmem_shared>>)
      tpu.yield
    }) : () -> ()
    %mul3A_5 = arith.constant 80 : i32
    %mul3A_6 = arith.muli %add3A, %mul3A_5 : i32
    "tpu.region"() ({
      %run_scoped3A = tpu.sem_alloc : memref<!tpu.dma_semaphore, #tpu.memory_space<semaphore_mem>>
      %dma_start3A = arith.constant 0 : i32
      %dma_start3A_19 = tpu.memref_slice %arg3[%mul3A_6, %dma_start3A] : memref<2560x128xi32, #tpu.memory_space<hbm>> -> memref<80x128xi32, #tpu.memory_space<hbm>>
      %dma_start3A_20 = arith.constant 0 : i32
      %dma_start3A_21 = tpu.memref_slice %arg3[%mul3A_6, %dma_start3A_20] : memref<2560x128xi32, #tpu.memory_space<hbm>> -> memref<80x128xi32, #tpu.memory_space<hbm>>
      tpu.enqueue_dma source(%dma_start3A_21 : memref<80x128xi32, #tpu.memory_space<hbm>>) target(%arg7 : memref<80x128xi32, #tpu.memory_space<vmem>>) target_semaphore(%run_scoped3A : memref<!tpu.dma_semaphore, #tpu.memory_space<semaphore_mem>>)
      %dma_wait3A = arith.constant 0 : i32
      %dma_wait3A_22 = tpu.memref_slice %arg3[%mul3A_6, %dma_wait3A] : memref<2560x128xi32, #tpu.memory_space<hbm>> -> memref<80x128xi32, #tpu.memory_space<hbm>>
      %dma_wait3A_23 = arith.constant 0 : i32
      %dma_wait3A_24 = tpu.memref_slice %arg3[%mul3A_6, %dma_wait3A_23] : memref<2560x128xi32, #tpu.memory_space<hbm>> -> memref<80x128xi32, #tpu.memory_space<hbm>>
      tpu.wait_dma2 semaphore(%run_scoped3A : memref<!tpu.dma_semaphore, #tpu.memory_space<semaphore_mem>>) src(%dma_wait3A_24 : memref<80x128xi32, #tpu.memory_space<hbm>>) dst(%arg7 : memref<80x128xi32, #tpu.memory_space<vmem>>)
      tpu.yield
    }) : () -> ()
    %mul3A_7 = arith.constant 80 : i32
    %mul3A_8 = arith.muli %add3A, %mul3A_7 : i32
    "tpu.region"() ({
      %run_scoped3A = tpu.sem_alloc : memref<!tpu.dma_semaphore, #tpu.memory_space<semaphore_mem>>
      %dma_start3A = arith.constant 0 : i32
      %dma_start3A_19 = tpu.memref_slice %arg4[%mul3A_8, %dma_start3A] : memref<2560x128xi32, #tpu.memory_space<hbm>> -> memref<80x128xi32, #tpu.memory_space<hbm>>
      %dma_start3A_20 = arith.constant 0 : i32
      %dma_start3A_21 = tpu.memref_slice %arg4[%mul3A_8, %dma_start3A_20] : memref<2560x128xi32, #tpu.memory_space<hbm>> -> memref<80x128xi32, #tpu.memory_space<hbm>>
      tpu.enqueue_dma source(%dma_start3A_21 : memref<80x128xi32, #tpu.memory_space<hbm>>) target(%arg8 : memref<80x128xi32, #tpu.memory_space<vmem>>) target_semaphore(%run_scoped3A : memref<!tpu.dma_semaphore, #tpu.memory_space<semaphore_mem>>)
      %dma_wait3A = arith.constant 0 : i32
      %dma_wait3A_22 = tpu.memref_slice %arg4[%mul3A_8, %dma_wait3A] : memref<2560x128xi32, #tpu.memory_space<hbm>> -> memref<80x128xi32, #tpu.memory_space<hbm>>
      %dma_wait3A_23 = arith.constant 0 : i32
      %dma_wait3A_24 = tpu.memref_slice %arg4[%mul3A_8, %dma_wait3A_23] : memref<2560x128xi32, #tpu.memory_space<hbm>> -> memref<80x128xi32, #tpu.memory_space<hbm>>
      tpu.wait_dma2 semaphore(%run_scoped3A : memref<!tpu.dma_semaphore, #tpu.memory_space<semaphore_mem>>) src(%dma_wait3A_24 : memref<80x128xi32, #tpu.memory_space<hbm>>) dst(%arg8 : memref<80x128xi32, #tpu.memory_space<vmem>>)
      tpu.yield
    }) : () -> ()
    %barrier3A = arith.constant 0 : index
    tpu.barrier barrier_id(%barrier3A)
    %scan3A = arith.constant 0 : i32
    %scan3A_9 = arith.constant 0 : i32
    %scan3A_10 = arith.constant 80 : i32
    %scan3A_11 = arith.addi %scan3A_9, %scan3A_10 : i32
    %scan3A_12 = arith.constant 1 : i32
    scf.for %scan3A_19 = %scan3A_9 to %scan3A_11 step %scan3A_12  : i32 {
      %dma_start3A = arith.constant 0 : i32
      %dma_start3A_20 = tpu.memref_slice %arg7[%scan3A_19, %dma_start3A] : memref<80x128xi32, #tpu.memory_space<vmem>> -> memref<1x128xi32, #tpu.memory_space<vmem>>
      %dma_start3A_21 = tpu.memref_squeeze %dma_start3A_20 : memref<1x128xi32, #tpu.memory_space<vmem>> -> memref<128xi32, #tpu.memory_space<vmem>>
      %dma_start3A_22 = arith.constant 0 : i32
      %dma_start3A_23 = arith.constant 0 : i32
      %dma_start3A_24 = tpu.memref_slice %arg2[%dma_start3A_22, %dma_start3A_23] : memref<10000x128xf32, #tpu.memory_space<hbm>> -> memref<10000x128xf32, #tpu.memory_space<hbm>>
      tpu.enqueue_indirect_dma source(%dma_start3A_24 : memref<10000x128xf32, #tpu.memory_space<hbm>>) target(%arg9 : memref<128x128xf32, #tpu.memory_space<vmem>>) offsets(%dma_start3A_21 : memref<128xi32, #tpu.memory_space<vmem>>) semaphore(%arg11 : memref<!tpu.dma_semaphore, #tpu.memory_space<semaphore_mem>>)
      %dma_wait3A = arith.constant 0 : i32
      %dma_wait3A_25 = tpu.memref_slice %arg7[%scan3A_19, %dma_wait3A] : memref<80x128xi32, #tpu.memory_space<vmem>> -> memref<1x128xi32, #tpu.memory_space<vmem>>
      %dma_wait3A_26 = tpu.memref_squeeze %dma_wait3A_25 : memref<1x128xi32, #tpu.memory_space<vmem>> -> memref<128xi32, #tpu.memory_space<vmem>>
      %dma_wait3A_27 = arith.constant 0 : i32
      %dma_wait3A_28 = arith.constant 0 : i32
      %dma_wait3A_29 = tpu.memref_slice %arg2[%dma_wait3A_27, %dma_wait3A_28] : memref<10000x128xf32, #tpu.memory_space<hbm>> -> memref<10000x128xf32, #tpu.memory_space<hbm>>
      tpu.wait_indirect_dma semaphore(%arg11 : memref<!tpu.dma_semaphore, #tpu.memory_space<semaphore_mem>>) src(%dma_wait3A_29 : memref<10000x128xf32, #tpu.memory_space<hbm>>) dst(%arg9 : memref<128x128xf32, #tpu.memory_space<vmem>>)
      "tpu.region"() ({
        %run_scoped3A = tpu.sem_alloc : memref<!tpu.dma_semaphore, #tpu.memory_space<semaphore_mem>>
        %dma_start3A_30 = arith.constant 0 : i32
        %dma_start3A_31 = tpu.memref_slice %arg8[%scan3A_19, %dma_start3A_30] : memref<80x128xi32, #tpu.memory_space<vmem>> -> memref<1x128xi32, #tpu.memory_space<vmem>>
        %dma_start3A_32 = tpu.memref_squeeze %dma_start3A_31 : memref<1x128xi32, #tpu.memory_space<vmem>> -> memref<128xi32, #tpu.memory_space<vmem>>
        %dma_start3A_33 = arith.constant 0 : i32
        %dma_start3A_34 = arith.constant 0 : i32
        %dma_start3A_35 = tpu.memref_slice %arg10[%dma_start3A_33, %dma_start3A_34] : memref<10240x128xf32, #tpu.memory_space<vmem_shared>> -> memref<10240x128xf32, #tpu.memory_space<vmem_shared>>
        tpu.enqueue_indirect_dma source(%arg9 : memref<128x128xf32, #tpu.memory_space<vmem>>) target(%dma_start3A_35 : memref<10240x128xf32, #tpu.memory_space<vmem_shared>>) offsets(%dma_start3A_32 : memref<128xi32, #tpu.memory_space<vmem>>) semaphore(%run_scoped3A : memref<!tpu.dma_semaphore, #tpu.memory_space<semaphore_mem>>) {add = true}
        %dma_wait3A_36 = arith.constant 0 : i32
        %dma_wait3A_37 = tpu.memref_slice %arg8[%scan3A_19, %dma_wait3A_36] : memref<80x128xi32, #tpu.memory_space<vmem>> -> memref<1x128xi32, #tpu.memory_space<vmem>>
        %dma_wait3A_38 = tpu.memref_squeeze %dma_wait3A_37 : memref<1x128xi32, #tpu.memory_space<vmem>> -> memref<128xi32, #tpu.memory_space<vmem>>
        %dma_wait3A_39 = arith.constant 0 : i32
        %dma_wait3A_40 = arith.constant 0 : i32
        %dma_wait3A_41 = tpu.memref_slice %arg10[%dma_wait3A_39, %dma_wait3A_40] : memref<10240x128xf32, #tpu.memory_space<vmem_shared>> -> memref<10240x128xf32, #tpu.memory_space<vmem_shared>>
        tpu.wait_indirect_dma semaphore(%run_scoped3A : memref<!tpu.dma_semaphore, #tpu.memory_space<semaphore_mem>>) src(%arg9 : memref<128x128xf32, #tpu.memory_space<vmem>>) dst(%dma_wait3A_41 : memref<10240x128xf32, #tpu.memory_space<vmem_shared>>)
        tpu.yield
      }) : () -> ()
    }
    %scan3A_13 = arith.constant 80 : i32
    %barrier3A_14 = arith.constant 0 : index
    tpu.barrier barrier_id(%barrier3A_14)
    %mul3A_15 = arith.constant 640 : i32
    %mul3A_16 = arith.muli %arg1, %mul3A_15 : i32
    %mul3A_17 = arith.constant 640 : i32
    %mul3A_18 = arith.muli %arg1, %mul3A_17 : i32
    "tpu.region"() ({
      %run_scoped3A = tpu.sem_alloc : memref<!tpu.dma_semaphore, #tpu.memory_space<semaphore_mem>>
      %dma_start3A = arith.constant 0 : i32
      %dma_start3A_19 = tpu.memref_slice %arg6[%arg0, %mul3A_18, %dma_start3A] : memref<2x10240x128xf32, #tpu.memory_space<hbm>> -> memref<1x640x128xf32, #tpu.memory_space<hbm>>
      %dma_start3A_20 = tpu.memref_squeeze %dma_start3A_19 : memref<1x640x128xf32, #tpu.memory_space<hbm>> -> memref<640x128xf32, #tpu.memory_space<hbm>>
      %dma_start3A_21 = arith.constant 0 : i32
      %dma_start3A_22 = tpu.memref_slice %arg10[%mul3A_16, %dma_start3A_21] : memref<10240x128xf32, #tpu.memory_space<vmem_shared>> -> memref<640x128xf32, #tpu.memory_space<vmem_shared>>
      tpu.enqueue_dma source(%dma_start3A_22 : memref<640x128xf32, #tpu.memory_space<vmem_shared>>) target(%dma_start3A_20 : memref<640x128xf32, #tpu.memory_space<hbm>>) target_semaphore(%run_scoped3A : memref<!tpu.dma_semaphore, #tpu.memory_space<semaphore_mem>>)
      %dma_wait3A = arith.constant 0 : i32
      %dma_wait3A_23 = tpu.memref_slice %arg6[%arg0, %mul3A_18, %dma_wait3A] : memref<2x10240x128xf32, #tpu.memory_space<hbm>> -> memref<1x640x128xf32, #tpu.memory_space<hbm>>
      %dma_wait3A_24 = tpu.memref_squeeze %dma_wait3A_23 : memref<1x640x128xf32, #tpu.memory_space<hbm>> -> memref<640x128xf32, #tpu.memory_space<hbm>>
      %dma_wait3A_25 = arith.constant 0 : i32
      %dma_wait3A_26 = tpu.memref_slice %arg10[%mul3A_16, %dma_wait3A_25] : memref<10240x128xf32, #tpu.memory_space<vmem_shared>> -> memref<640x128xf32, #tpu.memory_space<vmem_shared>>
      tpu.wait_dma2 semaphore(%run_scoped3A : memref<!tpu.dma_semaphore, #tpu.memory_space<semaphore_mem>>) src(%dma_wait3A_26 : memref<640x128xf32, #tpu.memory_space<vmem_shared>>) dst(%dma_wait3A_24 : memref<640x128xf32, #tpu.memory_space<hbm>>)
      tpu.yield
    }) : () -> ()
    return
  }
}

module attributes {stable_mosaic.version = 14 : i64} {
  func.func @_dinv_body(%arg0: memref<80x128xf32, #tpu.memory_space<vmem>>, %arg1: memref<80x128xf32, #tpu.memory_space<vmem>>, %arg2: memref<80x128xf32, #tpu.memory_space<vmem>>) attributes {dimension_semantics = [], scalar_prefetch = 0 : i64, scratch_operands = 0 : i64, tpu.core_type = #tpu.core_type<tc>} {
    %get3A = arith.constant 0 : index
    %get3A_0 = arith.constant 0 : index
    %get3A_1 = vector.load %arg0[%get3A, %get3A_0] : memref<80x128xf32, #tpu.memory_space<vmem>>, vector<80x128xf32>
    %get3A_2 = arith.constant 0 : index
    %get3A_3 = arith.constant 0 : index
    %get3A_4 = vector.load %arg1[%get3A_2, %get3A_3] : memref<80x128xf32, #tpu.memory_space<vmem>>, vector<80x128xf32>
    %add3A = arith.addf %get3A_1, %get3A_4 : vector<80x128xf32>
    %add3A_5 = arith.constant 1.000000e+00 : f32
    %add3A_6 = vector.broadcast %add3A_5 : f32 to vector<80x128xf32>
    %add3A_7 = arith.addf %add3A, %add3A_6 : vector<80x128xf32>
    %rsqrt3A = math.rsqrt %add3A_7 : vector<80x128xf32>
    %swap3A = arith.constant 0 : index
    %swap3A_8 = arith.constant 0 : index
    %swap3A_9 = vector.load %arg2[%swap3A, %swap3A_8] : memref<80x128xf32, #tpu.memory_space<vmem>>, vector<80x128xf32>
    tpu.vector_store %arg2[%swap3A, %swap3A_8], %rsqrt3A {strides = array<i32>} : memref<80x128xf32, #tpu.memory_space<vmem>>, vector<80x128xf32>,
    return
  }
}

module attributes {stable_mosaic.version = 14 : i64} {
  func.func @_mm_scale_body(%arg0: i32, %arg1: memref<1000x128xf32, #tpu.memory_space<vmem>>, %arg2: memref<128x128xf32, #tpu.memory_space<vmem>>, %arg3: memref<1000x1xf32, #tpu.memory_space<vmem>>, %arg4: memref<1000x128xf32, #tpu.memory_space<vmem>>) attributes {dimension_semantics = [#tpu.dimension_semantics<arbitrary>], iteration_bounds = array<i64: 10>, scalar_prefetch = 0 : i64, scratch_operands = 0 : i64, tpu.core_type = #tpu.core_type<tc>, window_params = [{transform_indices = @transform_0, window_bounds = array<i64: 1000, 128>}, {pipeline_mode = #tpu.pipeline_mode<synchronous>, transform_indices = @transform_1, window_bounds = array<i64: 128, 128>}, {transform_indices = @transform_2, window_bounds = array<i64: 1000, 1>}, {transform_indices = @transform_3, window_bounds = array<i64: 1000, 128>}]} {
    %get3A = arith.constant 0 : index
    %get3A_0 = arith.constant 0 : index
    %get3A_1 = vector.load %arg1[%get3A, %get3A_0] : memref<1000x128xf32, #tpu.memory_space<vmem>>, vector<1000x128xf32>
    %get3A_2 = arith.constant 0 : index
    %get3A_3 = arith.constant 0 : index
    %get3A_4 = vector.load %arg2[%get3A_2, %get3A_3] : memref<128x128xf32, #tpu.memory_space<vmem>>, vector<128x128xf32>
    %dot_general3A = arith.constant dense<0.000000e+00> : vector<1000x128xf32>
    %dot_general3A_5 = tpu.matmul %get3A_1, %get3A_4, %dot_general3A {dimension_numbers = #tpu.dot_dimension_numbers<[1], [0], [0], [1], [0, 0, 1, 1], [], []>, precision = #tpu.contract_precision<fp32>, transpose_lhs_hint = false} : vector<1000x128xf32>, vector<128x128xf32>, vector<1000x128xf32> -> vector<1000x128xf32>
    %get3A_6 = arith.constant 0 : index
    %get3A_7 = arith.constant 0 : index
    %get3A_8 = vector.load %arg3[%get3A_6, %get3A_7] : memref<1000x1xf32, #tpu.memory_space<vmem>>, vector<1000x1xf32>
    %mul3A = vector.broadcast %get3A_8 : vector<1000x1xf32> to vector<1000x128xf32>
    %mul3A_9 = arith.mulf %dot_general3A_5, %mul3A : vector<1000x128xf32>
    %swap3A = arith.constant 0 : index
    %swap3A_10 = arith.constant 0 : index
    %swap3A_11 = vector.load %arg4[%swap3A, %swap3A_10] : memref<1000x128xf32, #tpu.memory_space<vmem>>, vector<1000x128xf32>
    tpu.vector_store %arg4[%swap3A, %swap3A_10], %mul3A_9 {strides = array<i32>} : memref<1000x128xf32, #tpu.memory_space<vmem>>, vector<1000x128xf32>,
    return
  }
  func.func @transform_0(%arg0: i32) -> (i32, i32) {
    %c0_i32 = arith.constant 0 : i32
    %c0_i32_0 = arith.constant 0 : i32
    return %arg0, %c0_i32 : i32, i32
  }
  func.func @transform_1(%arg0: i32) -> (i32, i32) {
    %c0_i32 = arith.constant 0 : i32
    %c0_i32_0 = arith.constant 0 : i32
    %c0_i32_1 = arith.constant 0 : i32
    return %c0_i32, %c0_i32_0 : i32, i32
  }
  func.func @transform_2(%arg0: i32) -> (i32, i32) {
    %c0_i32 = arith.constant 0 : i32
    %c0_i32_0 = arith.constant 0 : i32
    return %arg0, %c0_i32 : i32, i32
  }
  func.func @transform_3(%arg0: i32) -> (i32, i32) {
    %c0_i32 = arith.constant 0 : i32
    %c0_i32_0 = arith.constant 0 : i32
    return %arg0, %c0_i32 : i32, i32
  }
}

module attributes {stable_mosaic.version = 14 : i64} {
  func.func @_finish_body(%arg0: i32, %arg1: memref<1000x128xf32, #tpu.memory_space<vmem>>, %arg2: memref<1000x128xf32, #tpu.memory_space<vmem>>, %arg3: memref<1000x128xf32, #tpu.memory_space<vmem>>, %arg4: memref<1000x1xf32, #tpu.memory_space<vmem>>, %arg5: memref<1x128xf32, #tpu.memory_space<vmem>>, %arg6: memref<1x128xf32, #tpu.memory_space<vmem>>, %arg7: memref<1x128xf32, #tpu.memory_space<vmem>>, %arg8: memref<1000x128xf32, #tpu.memory_space<vmem>>, %arg9: memref<1000x128xf32, #tpu.memory_space<vmem>>) attributes {dimension_semantics = [#tpu.dimension_semantics<arbitrary>], iteration_bounds = array<i64: 10>, scalar_prefetch = 0 : i64, scratch_operands = 0 : i64, tpu.core_type = #tpu.core_type<tc>, window_params = [{transform_indices = @transform_0, window_bounds = array<i64: 1000, 128>}, {transform_indices = @transform_1, window_bounds = array<i64: 1000, 128>}, {transform_indices = @transform_2, window_bounds = array<i64: 1000, 128>}, {transform_indices = @transform_3, window_bounds = array<i64: 1000, 1>}, {pipeline_mode = #tpu.pipeline_mode<synchronous>, transform_indices = @transform_4, window_bounds = array<i64: 1, 128>}, {pipeline_mode = #tpu.pipeline_mode<synchronous>, transform_indices = @transform_5, window_bounds = array<i64: 1, 128>}, {pipeline_mode = #tpu.pipeline_mode<synchronous>, transform_indices = @transform_6, window_bounds = array<i64: 1, 128>}, {transform_indices = @transform_7, window_bounds = array<i64: 1000, 128>}, {transform_indices = @transform_8, window_bounds = array<i64: 1000, 128>}]} {
    %get3A = arith.constant 0 : index
    %get3A_0 = arith.constant 0 : index
    %get3A_1 = vector.load %arg1[%get3A, %get3A_0] : memref<1000x128xf32, #tpu.memory_space<vmem>>, vector<1000x128xf32>
    %get3A_2 = arith.constant 0 : index
    %get3A_3 = arith.constant 0 : index
    %get3A_4 = vector.load %arg2[%get3A_2, %get3A_3] : memref<1000x128xf32, #tpu.memory_space<vmem>>, vector<1000x128xf32>
    %add3A = arith.addf %get3A_1, %get3A_4 : vector<1000x128xf32>
    %get3A_5 = arith.constant 0 : index
    %get3A_6 = arith.constant 0 : index
    %get3A_7 = vector.load %arg3[%get3A_5, %get3A_6] : memref<1000x128xf32, #tpu.memory_space<vmem>>, vector<1000x128xf32>
    %add3A_8 = arith.addf %add3A, %get3A_7 : vector<1000x128xf32>
    %get3A_9 = arith.constant 0 : index
    %get3A_10 = arith.constant 0 : index
    %get3A_11 = vector.load %arg4[%get3A_9, %get3A_10] : memref<1000x1xf32, #tpu.memory_space<vmem>>, vector<1000x1xf32>
    %mul3A = vector.broadcast %get3A_11 : vector<1000x1xf32> to vector<1000x128xf32>
    %mul3A_12 = arith.mulf %add3A_8, %mul3A : vector<1000x128xf32>
    %get3A_13 = arith.constant 0 : index
    %get3A_14 = arith.constant 0 : index
    %get3A_15 = vector.load %arg5[%get3A_13, %get3A_14] : memref<1x128xf32, #tpu.memory_space<vmem>>, vector<1x128xf32>
    %add3A_16 = vector.broadcast %get3A_15 : vector<1x128xf32> to vector<1000x128xf32>
    %add3A_17 = arith.addf %mul3A_12, %add3A_16 : vector<1000x128xf32>
    %reduce_sum3A = arith.constant dense<0.000000e+00> : vector<1000xf32>
    %reduce_sum3A_18 = vector.multi_reduction <add>, %add3A_17, %reduce_sum3A [1] : vector<1000x128xf32> to vector<1000xf32>
    %broadcast_in_dim3A = vector.shape_cast %reduce_sum3A_18 : vector<1000xf32> to vector<1000x1xf32>
    %div3A = arith.constant 1.280000e+02 : f32
    %div3A_19 = vector.broadcast %div3A : f32 to vector<1000x1xf32>
    %div3A_20 = arith.divf %broadcast_in_dim3A, %div3A_19 : vector<1000x1xf32>
    %sub3A = vector.broadcast %div3A_20 : vector<1000x1xf32> to vector<1000x128xf32>
    %sub3A_21 = arith.subf %add3A_17, %sub3A : vector<1000x128xf32>
    %mul3A_22 = arith.mulf %sub3A_21, %sub3A_21 : vector<1000x128xf32>
    %reduce_sum3A_23 = arith.constant dense<0.000000e+00> : vector<1000xf32>
    %reduce_sum3A_24 = vector.multi_reduction <add>, %mul3A_22, %reduce_sum3A_23 [1] : vector<1000x128xf32> to vector<1000xf32>
    %broadcast_in_dim3A_25 = vector.shape_cast %reduce_sum3A_24 : vector<1000xf32> to vector<1000x1xf32>
    %div3A_26 = arith.constant 1.280000e+02 : f32
    %div3A_27 = vector.broadcast %div3A_26 : f32 to vector<1000x1xf32>
    %div3A_28 = arith.divf %broadcast_in_dim3A_25, %div3A_27 : vector<1000x1xf32>
    %add3A_29 = arith.constant 9.99999974E-6 : f32
    %add3A_30 = vector.broadcast %add3A_29 : f32 to vector<1000x1xf32>
    %add3A_31 = arith.addf %div3A_28, %add3A_30 : vector<1000x1xf32>
    %rsqrt3A = math.rsqrt %add3A_31 : vector<1000x1xf32>
    %mul3A_32 = vector.broadcast %rsqrt3A : vector<1000x1xf32> to vector<1000x128xf32>
    %mul3A_33 = arith.mulf %sub3A_21, %mul3A_32 : vector<1000x128xf32>
    %get3A_34 = arith.constant 0 : index
    %get3A_35 = arith.constant 0 : index
    %get3A_36 = vector.load %arg6[%get3A_34, %get3A_35] : memref<1x128xf32, #tpu.memory_space<vmem>>, vector<1x128xf32>
    %mul3A_37 = vector.broadcast %get3A_36 : vector<1x128xf32> to vector<1000x128xf32>
    %mul3A_38 = arith.mulf %mul3A_33, %mul3A_37 : vector<1000x128xf32>
    %get3A_39 = arith.constant 0 : index
    %get3A_40 = arith.constant 0 : index
    %get3A_41 = vector.load %arg7[%get3A_39, %get3A_40] : memref<1x128xf32, #tpu.memory_space<vmem>>, vector<1x128xf32>
    %add3A_42 = vector.broadcast %get3A_41 : vector<1x128xf32> to vector<1000x128xf32>
    %add3A_43 = arith.addf %mul3A_38, %add3A_42 : vector<1000x128xf32>
    %gt3A = arith.constant 0.000000e+00 : f32
    %gt3A_44 = vector.broadcast %gt3A : f32 to vector<1000x128xf32>
    %gt3A_45 = arith.cmpf ogt, %add3A_43, %gt3A_44 : vector<1000x128xf32>
    %exp3A = math.exp %add3A_43 : vector<1000x128xf32>
    %sub3A_46 = arith.constant 1.000000e+00 : f32
    %sub3A_47 = vector.broadcast %sub3A_46 : f32 to vector<1000x128xf32>
    %sub3A_48 = arith.subf %exp3A, %sub3A_47 : vector<1000x128xf32>
    %select_n3A = arith.select %gt3A_45, %add3A_43, %sub3A_48 : vector<1000x128xi1>, vector<1000x128xf32>
    %get3A_49 = arith.constant 0 : index
    %get3A_50 = arith.constant 0 : index
    %get3A_51 = vector.load %arg8[%get3A_49, %get3A_50] : memref<1000x128xf32, #tpu.memory_space<vmem>>, vector<1000x128xf32>
    %add3A_52 = arith.addf %select_n3A, %get3A_51 : vector<1000x128xf32>
    %swap3A = arith.constant 0 : index
    %swap3A_53 = arith.constant 0 : index
    %swap3A_54 = vector.load %arg9[%swap3A, %swap3A_53] : memref<1000x128xf32, #tpu.memory_space<vmem>>, vector<1000x128xf32>
    tpu.vector_store %arg9[%swap3A, %swap3A_53], %add3A_52 {strides = array<i32>} : memref<1000x128xf32, #tpu.memory_space<vmem>>, vector<1000x128xf32>,
    return
  }
  func.func @transform_0(%arg0: i32) -> (i32, i32) {
    %c0_i32 = arith.constant 0 : i32
    %c0_i32_0 = arith.constant 0 : i32
    return %arg0, %c0_i32 : i32, i32
  }
  func.func @transform_1(%arg0: i32) -> (i32, i32) {
    %c0_i32 = arith.constant 0 : i32
    %c0_i32_0 = arith.constant 0 : i32
    return %arg0, %c0_i32 : i32, i32
  }
  func.func @transform_2(%arg0: i32) -> (i32, i32) {
    %c0_i32 = arith.constant 0 : i32
    %c0_i32_0 = arith.constant 0 : i32
    return %arg0, %c0_i32 : i32, i32
  }
  func.func @transform_3(%arg0: i32) -> (i32, i32) {
    %c0_i32 = arith.constant 0 : i32
    %c0_i32_0 = arith.constant 0 : i32
    return %arg0, %c0_i32 : i32, i32
  }
  func.func @transform_4(%arg0: i32) -> (i32, i32) {
    %c0_i32 = arith.constant 0 : i32
    %c0_i32_0 = arith.constant 0 : i32
    %c0_i32_1 = arith.constant 0 : i32
    return %c0_i32, %c0_i32_0 : i32, i32
  }
  func.func @transform_5(%arg0: i32) -> (i32, i32) {
    %c0_i32 = arith.constant 0 : i32
    %c0_i32_0 = arith.constant 0 : i32
    %c0_i32_1 = arith.constant 0 : i32
    return %c0_i32, %c0_i32_0 : i32, i32
  }
  func.func @transform_6(%arg0: i32) -> (i32, i32) {
    %c0_i32 = arith.constant 0 : i32
    %c0_i32_0 = arith.constant 0 : i32
    %c0_i32_1 = arith.constant 0 : i32
    return %c0_i32, %c0_i32_0 : i32, i32
  }
  func.func @transform_7(%arg0: i32) -> (i32, i32) {
    %c0_i32 = arith.constant 0 : i32
    %c0_i32_0 = arith.constant 0 : i32
    return %arg0, %c0_i32 : i32, i32
  }
  func.func @transform_8(%arg0: i32) -> (i32, i32) {
    %c0_i32 = arith.constant 0 : i32
    %c0_i32_0 = arith.constant 0 : i32
    return %arg0, %c0_i32 : i32, i32
  }
}

module attributes {stable_mosaic.version = 14 : i64} {
  func.func @_head_body(%arg0: i32, %arg1: memref<1000x128xf32, #tpu.memory_space<vmem>>, %arg2: memref<128x256xf32, #tpu.memory_space<vmem>>, %arg3: memref<1x256xf32, #tpu.memory_space<vmem>>, %arg4: memref<1x256xf32, #tpu.memory_space<vmem>>, %arg5: memref<1x256xf32, #tpu.memory_space<vmem>>, %arg6: memref<256x16xf32, #tpu.memory_space<vmem>>, %arg7: memref<1x16xf32, #tpu.memory_space<vmem>>, %arg8: memref<1000x16xf32, #tpu.memory_space<vmem>>) attributes {dimension_semantics = [#tpu.dimension_semantics<arbitrary>], iteration_bounds = array<i64: 10>, scalar_prefetch = 0 : i64, scratch_operands = 0 : i64, tpu.core_type = #tpu.core_type<tc>, window_params = [{transform_indices = @transform_0, window_bounds = array<i64: 1000, 128>}, {pipeline_mode = #tpu.pipeline_mode<synchronous>, transform_indices = @transform_1, window_bounds = array<i64: 128, 256>}, {pipeline_mode = #tpu.pipeline_mode<synchronous>, transform_indices = @transform_2, window_bounds = array<i64: 1, 256>}, {pipeline_mode = #tpu.pipeline_mode<synchronous>, transform_indices = @transform_3, window_bounds = array<i64: 1, 256>}, {pipeline_mode = #tpu.pipeline_mode<synchronous>, transform_indices = @transform_4, window_bounds = array<i64: 1, 256>}, {pipeline_mode = #tpu.pipeline_mode<synchronous>, transform_indices = @transform_5, window_bounds = array<i64: 256, 16>}, {pipeline_mode = #tpu.pipeline_mode<synchronous>, transform_indices = @transform_6, window_bounds = array<i64: 1, 16>}, {transform_indices = @transform_7, window_bounds = array<i64: 1000, 16>}]} {
    %get3A = arith.constant 0 : index
    %get3A_0 = arith.constant 0 : index
    %get3A_1 = vector.load %arg1[%get3A, %get3A_0] : memref<1000x128xf32, #tpu.memory_space<vmem>>, vector<1000x128xf32>
    %get3A_2 = arith.constant 0 : index
    %get3A_3 = arith.constant 0 : index
    %get3A_4 = vector.load %arg2[%get3A_2, %get3A_3] : memref<128x256xf32, #tpu.memory_space<vmem>>, vector<128x256xf32>
    %dot_general3A = arith.constant dense<0.000000e+00> : vector<1000x256xf32>
    %dot_general3A_5 = tpu.matmul %get3A_1, %get3A_4, %dot_general3A {dimension_numbers = #tpu.dot_dimension_numbers<[1], [0], [0], [1], [0, 0, 1, 1], [], []>, precision = #tpu.contract_precision<fp32>, transpose_lhs_hint = false} : vector<1000x128xf32>, vector<128x256xf32>, vector<1000x256xf32> -> vector<1000x256xf32>
    %get3A_6 = arith.constant 0 : index
    %get3A_7 = arith.constant 0 : index
    %get3A_8 = vector.load %arg3[%get3A_6, %get3A_7] : memref<1x256xf32, #tpu.memory_space<vmem>>, vector<1x256xf32>
    %add3A = vector.broadcast %get3A_8 : vector<1x256xf32> to vector<1000x256xf32>
    %add3A_9 = arith.addf %dot_general3A_5, %add3A : vector<1000x256xf32>
    %reduce_sum3A = arith.constant dense<0.000000e+00> : vector<1000xf32>
    %reduce_sum3A_10 = vector.multi_reduction <add>, %add3A_9, %reduce_sum3A [1] : vector<1000x256xf32> to vector<1000xf32>
    %broadcast_in_dim3A = vector.shape_cast %reduce_sum3A_10 : vector<1000xf32> to vector<1000x1xf32>
    %div3A = arith.constant 2.560000e+02 : f32
    %div3A_11 = vector.broadcast %div3A : f32 to vector<1000x1xf32>
    %div3A_12 = arith.divf %broadcast_in_dim3A, %div3A_11 : vector<1000x1xf32>
    %sub3A = vector.broadcast %div3A_12 : vector<1000x1xf32> to vector<1000x256xf32>
    %sub3A_13 = arith.subf %add3A_9, %sub3A : vector<1000x256xf32>
    %mul3A = arith.mulf %sub3A_13, %sub3A_13 : vector<1000x256xf32>
    %reduce_sum3A_14 = arith.constant dense<0.000000e+00> : vector<1000xf32>
    %reduce_sum3A_15 = vector.multi_reduction <add>, %mul3A, %reduce_sum3A_14 [1] : vector<1000x256xf32> to vector<1000xf32>
    %broadcast_in_dim3A_16 = vector.shape_cast %reduce_sum3A_15 : vector<1000xf32> to vector<1000x1xf32>
    %div3A_17 = arith.constant 2.560000e+02 : f32
    %div3A_18 = vector.broadcast %div3A_17 : f32 to vector<1000x1xf32>
    %div3A_19 = arith.divf %broadcast_in_dim3A_16, %div3A_18 : vector<1000x1xf32>
    %add3A_20 = arith.constant 9.99999974E-6 : f32
    %add3A_21 = vector.broadcast %add3A_20 : f32 to vector<1000x1xf32>
    %add3A_22 = arith.addf %div3A_19, %add3A_21 : vector<1000x1xf32>
    %rsqrt3A = math.rsqrt %add3A_22 : vector<1000x1xf32>
    %mul3A_23 = vector.broadcast %rsqrt3A : vector<1000x1xf32> to vector<1000x256xf32>
    %mul3A_24 = arith.mulf %sub3A_13, %mul3A_23 : vector<1000x256xf32>
    %get3A_25 = arith.constant 0 : index
    %get3A_26 = arith.constant 0 : index
    %get3A_27 = vector.load %arg4[%get3A_25, %get3A_26] : memref<1x256xf32, #tpu.memory_space<vmem>>, vector<1x256xf32>
    %mul3A_28 = vector.broadcast %get3A_27 : vector<1x256xf32> to vector<1000x256xf32>
    %mul3A_29 = arith.mulf %mul3A_24, %mul3A_28 : vector<1000x256xf32>
    %get3A_30 = arith.constant 0 : index
    %get3A_31 = arith.constant 0 : index
    %get3A_32 = vector.load %arg5[%get3A_30, %get3A_31] : memref<1x256xf32, #tpu.memory_space<vmem>>, vector<1x256xf32>
    %add3A_33 = vector.broadcast %get3A_32 : vector<1x256xf32> to vector<1000x256xf32>
    %add3A_34 = arith.addf %mul3A_29, %add3A_33 : vector<1000x256xf32>
    %gt3A = arith.constant 0.000000e+00 : f32
    %gt3A_35 = vector.broadcast %gt3A : f32 to vector<1000x256xf32>
    %gt3A_36 = arith.cmpf ogt, %add3A_34, %gt3A_35 : vector<1000x256xf32>
    %exp3A = math.exp %add3A_34 : vector<1000x256xf32>
    %sub3A_37 = arith.constant 1.000000e+00 : f32
    %sub3A_38 = vector.broadcast %sub3A_37 : f32 to vector<1000x256xf32>
    %sub3A_39 = arith.subf %exp3A, %sub3A_38 : vector<1000x256xf32>
    %select_n3A = arith.select %gt3A_36, %add3A_34, %sub3A_39 : vector<1000x256xi1>, vector<1000x256xf32>
    %get3A_40 = arith.constant 0 : index
    %get3A_41 = arith.constant 0 : index
    %get3A_42 = vector.load %arg6[%get3A_40, %get3A_41] : memref<256x16xf32, #tpu.memory_space<vmem>>, vector<256x16xf32>
    %dot_general3A_43 = arith.constant dense<0.000000e+00> : vector<1000x16xf32>
    %dot_general3A_44 = tpu.matmul %select_n3A, %get3A_42, %dot_general3A_43 {dimension_numbers = #tpu.dot_dimension_numbers<[1], [0], [0], [1], [0, 0, 1, 1], [], []>, precision = #tpu.contract_precision<fp32>, transpose_lhs_hint = false} : vector<1000x256xf32>, vector<256x16xf32>, vector<1000x16xf32> -> vector<1000x16xf32>
    %get3A_45 = arith.constant 0 : index
    %get3A_46 = arith.constant 0 : index
    %get3A_47 = vector.load %arg7[%get3A_45, %get3A_46] : memref<1x16xf32, #tpu.memory_space<vmem>>, vector<1x16xf32>
    %add3A_48 = vector.broadcast %get3A_47 : vector<1x16xf32> to vector<1000x16xf32>
    %add3A_49 = arith.addf %dot_general3A_44, %add3A_48 : vector<1000x16xf32>
    %reduce_max3A = arith.constant dense<0xFF800000> : vector<1000xf32>
    %reduce_max3A_50 = vector.multi_reduction <maximumf>, %add3A_49, %reduce_max3A [1] : vector<1000x16xf32> to vector<1000xf32>
    %broadcast_in_dim3A_51 = vector.shape_cast %reduce_max3A_50 : vector<1000xf32> to vector<1000x1xf32>
    %sub3A_52 = vector.broadcast %broadcast_in_dim3A_51 : vector<1000x1xf32> to vector<1000x16xf32>
    %sub3A_53 = arith.subf %add3A_49, %sub3A_52 : vector<1000x16xf32>
    %exp3A_54 = math.exp %sub3A_53 : vector<1000x16xf32>
    %reduce_sum3A_55 = arith.constant dense<0.000000e+00> : vector<1000xf32>
    %reduce_sum3A_56 = vector.multi_reduction <add>, %exp3A_54, %reduce_sum3A_55 [1] : vector<1000x16xf32> to vector<1000xf32>
    %broadcast_in_dim3A_57 = vector.shape_cast %reduce_sum3A_56 : vector<1000xf32> to vector<1000x1xf32>
    %div3A_58 = vector.broadcast %broadcast_in_dim3A_57 : vector<1000x1xf32> to vector<1000x16xf32>
    %div3A_59 = arith.divf %exp3A_54, %div3A_58 : vector<1000x16xf32>
    %swap3A = arith.constant 0 : index
    %swap3A_60 = arith.constant 0 : index
    %swap3A_61 = vector.load %arg8[%swap3A, %swap3A_60] : memref<1000x16xf32, #tpu.memory_space<vmem>>, vector<1000x16xf32>
    tpu.vector_store %arg8[%swap3A, %swap3A_60], %div3A_59 {strides = array<i32>} : memref<1000x16xf32, #tpu.memory_space<vmem>>, vector<1000x16xf32>,
    return
  }
  func.func @transform_0(%arg0: i32) -> (i32, i32) {
    %c0_i32 = arith.constant 0 : i32
    %c0_i32_0 = arith.constant 0 : i32
    return %arg0, %c0_i32 : i32, i32
  }
  func.func @transform_1(%arg0: i32) -> (i32, i32) {
    %c0_i32 = arith.constant 0 : i32
    %c0_i32_0 = arith.constant 0 : i32
    %c0_i32_1 = arith.constant 0 : i32
    return %c0_i32, %c0_i32_0 : i32, i32
  }
  func.func @transform_2(%arg0: i32) -> (i32, i32) {
    %c0_i32 = arith.constant 0 : i32
    %c0_i32_0 = arith.constant 0 : i32
    %c0_i32_1 = arith.constant 0 : i32
    return %c0_i32, %c0_i32_0 : i32, i32
  }
  func.func @transform_3(%arg0: i32) -> (i32, i32) {
    %c0_i32 = arith.constant 0 : i32
    %c0_i32_0 = arith.constant 0 : i32
    %c0_i32_1 = arith.constant 0 : i32
    return %c0_i32, %c0_i32_0 : i32, i32
  }
  func.func @transform_4(%arg0: i32) -> (i32, i32) {
    %c0_i32 = arith.constant 0 : i32
    %c0_i32_0 = arith.constant 0 : i32
    %c0_i32_1 = arith.constant 0 : i32
    return %c0_i32, %c0_i32_0 : i32, i32
  }
  func.func @transform_5(%arg0: i32) -> (i32, i32) {
    %c0_i32 = arith.constant 0 : i32
    %c0_i32_0 = arith.constant 0 : i32
    %c0_i32_1 = arith.constant 0 : i32
    return %c0_i32, %c0_i32_0 : i32, i32
  }
  func.func @transform_6(%arg0: i32) -> (i32, i32) {
    %c0_i32 = arith.constant 0 : i32
    %c0_i32_0 = arith.constant 0 : i32
    %c0_i32_1 = arith.constant 0 : i32
    return %c0_i32, %c0_i32_0 : i32, i32
  }
  func.func @transform_7(%arg0: i32) -> (i32, i32) {
    %c0_i32 = arith.constant 0 : i32
    %c0_i32_0 = arith.constant 0 : i32
    return %arg0, %c0_i32 : i32, i32
  }
}

</mosaic_0001>

<sc_bundles>
// kernel: kernel.11.cloned.1.call-start
scs
__scs_entry_jumppad:
0x0: {  	(pc) =	sbr.rel $0x88, $3  }
0x1: {  	(tag) =	ssettag $0x0;
	lr =	simm.s32 $0x1  }
0x2: {  	[smem:$0x3F91] =	sst lr;
	_ =	strace $0xD0000000  }
0x3: {  	_ = 	snop  }
0x4: {  	_ = 	snop  }
0x5: {  	_ = 	snop  }
0x6: {  	_ = 	snop  }
0x7: {  	_ = 	snop  }
__scs_overlays_trampoline_lowered:
0x8: {  	[smem:$0x3FA0] =	sst s0  }
0x9: {  	[smem:$0x3FA1] =	sst s1  }
0xa: {  	[smem:$0x3FA2] =	sst s2  }
0xb: {  	[smem:$0x3FA3] =	sst s3  }
0xc: {  	[smem:$0x3FA4] =	sst s4  }
0xd: {  	[smem:$0x3FA5] =	sst s5  }
0xe: {  	[smem:$0x3FA6] =	sst s6  }
0xf: {  	[smem:$0x3FA7] =	sst s7  }
0x10: {  	[smem:$0x3FA8] =	sst s8  }
0x11: {  	[smem:$0x3FA9] =	sst s9;
	s0 =	simm.s32 @!p0 $0x0  }
0x12: {  	s1 =	sld [smem:$0x3F8F];
	s0 =	simm.s32 @p0 $0x1  }
0x13: {  	[smem:$0x3FAA] =	sst s0;
	s0 =	simm.s32 @!p1 $0x0  }
0x14: {  	s2 =	sld [smem:$0x3F8E];
	s0 =	simm.s32 @p1 $0x1  }
0x15: {  	[smem:$0x3FAB] =	sst s0;
	s0 =	simm.s32 @!p2 $0x0  }
0x16: {  	s3 =	sld [smem:$0x3FDB];
	s0 =	simm.s32 @p2 $0x1  }
0x17: {  	s4 =	simm.s32 $0x1BF5;
	[smem:$0x3FAD] =	sst s0  }
0x18: {  	s0 =	sld [smem:$0x3F90];
	_ =	swait.ge [sflag:s4], $0x0  }
0x19: {  	s7 =	sld [smem:$0x3F91]  }
0x1a: {  	s8 =	sadd.s32 $0xFFFFE003, lr  }
0x1b: {  	s9 =	sadd.s32 $0xFFFFFEF7, lr;
	s5 =	simm.s32 $0xFFFFFFFF;
	p2 =	slt.u32 s8, $0xFFFFF086  }
0x1c: {  	p1 =	slt.u32 s9, $0xF7A;
	s5 =	simm.s32 @!p2 $0x0  }
0x1d: {  	s5 =	simm.s32 @p1 $0x1;
	p0 =	seq.s32 s7, s2  }
0x1e: {  	s7 =	smul.u32 @!p0 $0xF7A, s2;
	p2 =	seq.s32 @!p0 s5, $0x0  }
0x1f: {  	s9 =	smul.u32 $0xF7A, s1;
	s8 =	simm.s32 @!p0 $0x1BF5;
	p2 =	por !p2, p0  }
0x20: {  	[sflag:s8] =	ssyncset.s32 @!p0 $0xFFFFF086;
	s6 =	sadd.s32 @!p0 s3, s7;
	s7 =	simm.s32 @!p0 $0x108  }
0x21: {  	s3 =	sadd.s32 s3, s9;
	s6 =	sadd.s32 @!p0 $0x88, s6;
	s7 =	simm.s32 @p2 $0x1082  }
0x22: {  	[simem:s7], [sflag:s8] =	dma.local @!p0 [hbm:s6], $0xF7A  }
0x23: {  	s9 =	sor.u32 $0xD0000000, s2;
	s6 =	simm.s32 $0x108;
	_ =	swait.ge @!p0 [sflag:s8], $0x0  }
0x24: {  	s3 =	sadd.s32 $0x88, s3;
	s6 =	simm.s32 @!p1 $0x1082;
	[sflag:s4] =	ssyncset.s32 $0xFFFFF086  }
0x25: {  	[simem:s6], [sflag:s4] =	dma.local [hbm:s3], $0xF7A  }
0x26: {  	[smem:$0x3F91] =	sst s1;
	(tag) =	ssettag s2;
	_ =	strace s9  }
0x27: {  	s1 =	sld [smem:$0x3FA1]  }
0x28: {  	s2 =	sld [smem:$0x3FA2]  }
0x29: {  	s4 =	sld [smem:$0x3FA4]  }
0x2a: {  	p0 =	seq.s32 s5, $0x0;
	s5 =	sld [smem:$0x3FA5]  }
0x2b: {  	s6 =	sld [smem:$0x3FA6]  }
0x2c: {  	s7 =	sld [smem:$0x3FA7]  }
0x2d: {  	s3 =	simm.s32 $0x108;
	s8 =	sld [smem:$0x3FA8]  }
0x2e: {  	s3 =	simm.s32 @!p0 $0x1082;
	s9 =	sld [smem:$0x3FA9]  }
0x2f: {  	lr =	sadd.s32 s0, s3;
	s0 =	sld [smem:$0x3FA0]  }
0x30: {  	s3 =	sld [smem:$0x3FA3]  }
0x31: {  	[smem:$0x3FAC] =	sst s10  }
0x32: {  	s10 =	sld [smem:$0x3FAA];
	_ =	sdelay $0x3  }
0x33: {  	p0 =	seq.s32 s10, $0x1;
	s10 =	sld [smem:$0x3FAC];
	_ =	sdelay $0x3  }
0x34: {  	[smem:$0x3FAC] =	sst s10  }
0x35: {  	s10 =	sld [smem:$0x3FAB];
	_ =	sdelay $0x3  }
0x36: {  	p1 =	seq.s32 s10, $0x1;
	s10 =	sld [smem:$0x3FAC];
	_ =	sdelay $0x3  }
0x37: {  	[smem:$0x3FAC] =	sst s10  }
0x38: {  	s10 =	sld [smem:$0x3FAD]  }
0x39: {  	_ = 	snop;
	(pc) =	sbr.ind lr, $3  }
0x3a: {  	_ = 	snop  }
0x3b: {  	_ = 	snop  }
0x3c: {  	p2 =	seq.s32 s10, $0x1;
	s10 =	sld [smem:$0x3FAC]  }
0x3d: {  	_ =	shalt  }
0x3e: {  	_ =	shalt  }
0x3f: {  	_ =	shalt  }
0x40: {  	_ =	shalt  }
0x41: {  	_ =	shalt  }
0x42: {  	_ =	shalt  }
0x43: {  	_ =	shalt  }
0x44: {  	_ =	shalt  }
0x45: {  	_ =	shalt  }
0x46: {  	_ =	shalt  }
0x47: {  	_ =	shalt  }
0x48: {  	_ =	shalt  }
0x49: {  	_ =	shalt  }
0x4a: {  	_ =	shalt  }
0x4b: {  	_ =	shalt  }
0x4c: {  	_ =	shalt  }
0x4d: {  	_ =	shalt  }
0x4e: {  	_ =	shalt  }
0x4f: {  	_ =	shalt  }
0x50: {  	_ =	shalt  }
0x51: {  	_ =	shalt  }
0x52: {  	_ =	shalt  }
0x53: {  	_ =	shalt  }
0x54: {  	_ =	shalt  }
0x55: {  	_ =	shalt  }
0x56: {  	_ =	shalt  }
0x57: {  	_ =	shalt  }
0x58: {  	_ =	shalt  }
0x59: {  	_ =	shalt  }
0x5a: {  	_ =	shalt  }
0x5b: {  	_ =	shalt  }
0x5c: {  	_ =	shalt  }
0x5d: {  	_ =	shalt  }
0x5e: {  	_ =	shalt  }
0x5f: {  	_ =	shalt  }
0x60: {  	_ =	shalt  }
0x61: {  	_ =	shalt  }
0x62: {  	_ =	shalt  }
0x63: {  	_ =	shalt  }
0x64: {  	_ =	shalt  }
0x65: {  	_ =	shalt  }
0x66: {  	_ =	shalt  }
0x67: {  	_ =	shalt  }
0x68: {  	_ =	shalt  }
0x69: {  	_ =	shalt  }
0x6a: {  	_ =	shalt  }
0x6b: {  	_ =	shalt  }
0x6c: {  	_ =	shalt  }
0x6d: {  	_ =	shalt  }
0x6e: {  	_ =	shalt  }
0x6f: {  	_ =	shalt  }
0x70: {  	_ =	shalt  }
0x71: {  	_ =	shalt  }
0x72: {  	_ =	shalt  }
0x73: {  	_ =	shalt  }
0x74: {  	_ =	shalt  }
0x75: {  	_ =	shalt  }
0x76: {  	_ =	shalt  }
0x77: {  	_ =	shalt  }
0x78: {  	_ =	shalt  }
0x79: {  	_ =	shalt  }
0x7a: {  	_ =	shalt  }
0x7b: {  	_ =	shalt  }
0x7c: {  	_ =	shalt  }
0x7d: {  	_ =	shalt  }
0x7e: {  	_ =	shalt  }
0x7f: {  	_ =	shalt  }
0x80: {  	_ =	shalt  }
0x81: {  	_ =	shalt  }
0x82: {  	_ =	shalt  }
0x83: {  	_ =	shalt  }
0x84: {  	_ =	shalt  }
0x85: {  	_ =	shalt  }
0x86: {  	_ =	shalt  }
0x87: {  	_ =	shalt  }
.Lfunc_end0:
.L_simem_size_0:
called_computation_lowered:
.L_overlay_start_0:
0x88: {  	s2 =	sld [smem:$0x3FD9]  }
0x89: {  	s3 =	sld [smem:$0x3FFE];
	_ =	sdelay $0x1  }
0x8a: {  	s1 =	srdreg.scid  }
0x8b: {  	s0 =	sand.u32 $0x1, s1  }
0x8c: {  	s17 =	sshll.u32 s0, $0xA;
	s2 =	sadd.s32 s3, s2  }
0x8d: {  	s2 =	sadd.s32 s2, s17  }
0x8e: {  	[smem:$0x3FB8] =	sst s2  }
0x8f: {  	_ = 	snop  }
0x90: {  	s2 =	sld [smem:$0x3FD0];
	(tm) =	ssettm $0x1  }
0x91: {  	s18 =	sld [smem:$0x3FFB];
	_ =	sdelay $0x3  }
0x92: {  	_ =	strace s18  }
0x93: {  	s3 =	sld [smem:$0x3FFC];
	_ =	sdelay $0x3  }
0x94: {  	_ =	strace s3  }
0x95: {  	s3 =	sld [smem:$0x3FFD];
	_ =	sdelay $0x3  }
0x96: {  	_ =	strace s3  }
0x97: {  	_ =	strace $0x8FFFFFFF  }
0x98: {  	s19 =	sld [smem:$0x3FDB];
	_ =	sdelay $0x1  }
0x99: {  	s4 =	simm.s32 $_scs_section_size  }
0x9a: {  	s5 =	simm.s32 $_size__tile_overlayer_lowered;
	s6 =	simm.s32 $_tile_overlayer_lowered  }
0x9b: {  	s22 =	simm.s32 $0x1BFF;
	s21 =	sshll.u32 s6, $0x1;
	s3 =	sadd.s32 s4, s19  }
0x9c: {  	s7 =	simm.s32 $0x0;
	s20 =	sshll.u32 s5, $0x1;
	s5 =	sadd.s32 s21, s3  }
0x9d: {  	[timem:s7], [sflag:s22] =	dma.local [hbm:s5], s20  }
0x9e: {  	_ =	swait.ge [sflag:s22], s20  }
0x9f: {  	s4 =	ssub.s32 $0x0, s20;
	[sflag:s22] =	ssyncset.done $0x0  }
0xa0: {  	[sflag:s22] =	ssyncadd.s32 s4;
	_ =	sdelay $0x1  }
0xa1: {  	s23 =	simm.s32 $0x1B8B  }
0xa2: {  	_ =	swait.ge [sflag:s23], $0x1  }
0xa3: {  	[sflag:s23] =	ssyncset.done $0x0  }
0xa4: {  	s25 =	simm.s32 $0x1B8E;
	s24 =	sld [smem:$0x3FFE];
	[sflag:s23] =	ssyncadd.s32 $0xFFFFFFFF  }
0xa5: {  	s26 =	simm.s32 $execute0_lowered;
	[smem:$0x3FD2] =	sst s25  }
0xa6: {  	s5 =	sshll.u32 s26, $0x1;
	_ =	strace $0x80000046;
	[dreg:$0x1] =	wrdreg $0xFFFFFFFF  }
0xa7: {  	s28 =	simm.s32 $_size_execute0_lowered;
	s3 =	sadd.s32 s3, s5;
	[dreg:$0x0] =	wrdreg $0x0  }
0xa8: {  	s5 =	sshll.u32 s28, $0x1;
	[dreg:$0x2] =	wrdreg s3  }
0xa9: {  	[dreg:$0x3] =	wrdreg s5  }
0xaa: {  	[dreg:$0x4] =	wrdreg $0xC0  }
0xab: {  	_ =	task [dreg:s7], $0x5FFFF  }
0xac: {  	[dreg:$0x1] =	wrdreg $0xFFFFFFFF  }
0xad: {  	[dreg:$0x0] =	wrdreg $0x60  }
0xae: {  	[dreg:$0x2] =	wrdreg s24  }
0xaf: {  	[dreg:$0x3] =	wrdreg s2  }
0xb0: {  	[dreg:$0x4] =	wrdreg $0x28800  }
0xb1: {  	[dreg:$0x5] =	wrdreg $0x9  }
0xb2: {  	_ =	task.clear_ibuf [dreg:s7], $0x6FFFF;
	_ =	strace $0x90000046  }
0xb3: {  	s29 =	simm.s32 $0x9;
	_ =	strace $0x80000048  }
0xb4: {  	_ =	swait.ge [sflag:s29], $0x1  }
0xb5: {  	[sflag:s29] =	ssyncadd.s32 $0xFFFFFFFF  }
0xb6: {  	_ =	strace $0x90000048  }
0xb7: {  	_ =	sfence  }
0xb8: {  	s30 =	sld [smem:$0x0];
	_ =	sdelay $0x2  }
0xb9: {  	s31 =	sshll.u32 s1, $0xD;
	s1 =	sshrl.u32 s1, $0x2  }
0xba: {  	s3 =	sand.u32 $0x4000, s31;
	s1 =	sadd.s32 s1, s30  }
0xbb: {  	s0 =	sor.u32 s3, s0;
	s1 =	sshll.u32 s1, $0x11  }
0xbc: {  	s0 =	sor.u32 s1, s0  }
0xbd: {  	s0 =	sadd.s32 $0x8F2B, s0  }
0xbe: {  	[sflag:s0] =	ssyncadd.remote.s32 $0x1  }
0xbf: {  	_ =	sfence.sel $0xFFFF  }
0xc0: {  	[dreg:$0x0] =	wrdreg $0xFFFFFFFF;
	(pc) =	sbr.abs _section_cstart, $3  }
0xc1: {  	[dreg:$0x1] =	wrdreg $0xFFFFFFFF  }
0xc2: {  	_ =	task.clear_ibuf [dreg:s7], $0x2FFFF;
	_ =	strace $0x9FFFFFFF  }
0xc3: {  	(tm) =	ssettm $0x7FFFFFFF  }
tec
execute0_lowered:
.L_overlay_start_1:
0x0: {  	(tag) =	ssettag $0x1  }
0x1: {  	s4 =	rddreg [dreg:$0x0]  }
0x2: {  	s7 =	rddreg [dreg:$0x1]  }
0x3: {  	s0 =	srdreg.scid;
	s2 =	rddreg [dreg:$0x2];
	s3 =	simm.s32 $0x0  }
0x4: {  	s12 =	simm.s32 $0x2800;
	s13 =	simm.s32 $0x20;
	s14 =	simm.s32 $0x10  }
0x5: {  	s15 =	simm.s32 $0x0;
	s5 =	sand.u32 $0x1, s0;
	s0 =	stileid.u32  }
0x6: {  	[smem:$0x7FF] =	sst s3;
	s1 =	sshll.u32 s5, $0x4;
	s8 =	smul.u32 $0x280, s0  }
0x7: {  	s10 =	ssub.s32 $0x2, s5;
	s11 =	smul.u32 $0x500, s0;
	s5 =	sshll.u32 s5, $0x7  }
0x8: {  	s30 =	sshll.u32 s0, $0x6;
	s6 =	sor.u32 s0, s1;
	s1 =	rddreg [dreg:$0x3]  }
0x9: {  	_ =	strace $0x80000047;
	s28 =	sshrl.u32 s10, $0x1;
	s6 =	smul.u32 $0x500, s6  }
0xa: {  	s9 =	sshrl.u32 s8, $0x3;
	s29 =	sadd.s32 s8, s2;
	s11 =	sor.u32 s5, s11  }
0xb: {  	s5 =	sor.u32 $0x1C01, s30;
	s31 =	sshrl.u32 s11, $0x3;
	s11 =	simm.s32 $0x80  }
0xc: {  	s6 =	sadd.s32 s6, s4;
	s4 =	sadd.s32 s9, s4;
	s9 =	ssub.s32 s10, s28  }
0xd: {  	s7 =	sadd.s32 s7, s31;
	s10 =	simm.s32 $0x1;
	s4 =	sadd.s32 $0x19000, s4  }
0xe: {  	v0 =	vimm.f32 $1.000000000e+00;
	s6 =	sadd.s32 $0x5000, s6;
	s8 =	smax.u32 s9, $0x1;
	s9 =	sshrl.u32 s29, $0x3  }
.LBB2_1:
0xf: {  	[spmem:s9], [sflag:s5] =	dma.local [hbm:s4], $0x50  }
0x10: {  	_ =	swait.ge [sflag:s10], $0x50  }
0x11: {  	[sflag:s10] =	ssyncset.done $0x0  }
0x12: {  	[sflag:s10] =	ssyncadd.s32 $0xFFFFFFB0  }
0x13: {  	[tilespmem:s3], [sflag:$0x1] =	stream.linear.gather [hbm4b:s6+s3], $0x2800, $0x38;
	[tilespmem:$0x2B00] =	vst v63  }
0x14: {  	_ =	swait.ge [sflag:s10], $0x2800  }
0x15: {  	[sflag:s10] =	ssyncset.done $0x0  }
0x16: {  	[sflag:s10] =	ssyncadd.s32 $0xFFFFD800  }
0x17: {  	[tilespmem:$0x2800] =	vst v0  }
0x18: {  	[tilespmem:$0x2810] =	vst v0  }
0x19: {  	[tilespmem:$0x2820] =	vst v0  }
0x1a: {  	[tilespmem:$0x2830] =	vst v0  }
0x1b: {  	[tilespmem:$0x2840] =	vst v0  }
0x1c: {  	[tilespmem:$0x2850] =	vst v0  }
0x1d: {  	[tilespmem:$0x2860] =	vst v0  }
0x1e: {  	[tilespmem:$0x2870] =	vst v0  }
0x1f: {  	s16 =	simm.s32 $0x0;
	[bflag:$0x0] =	sbarrier.arrive $0xFFFF  }
0x20: {  	[spmem:s2] =	stream.indirect.scatter.add.f32 [tilespmem:s12], [sflag:$0x1], $0x1, s16, s11, $0xb8;
	[tilespmem:$0x2B00] =	vst v63  }
0x21: {  	_ =	swait.ge [sflag:s10], $0x80  }
0x22: {  	s16 =	simm.s32 $0x200;
	[sflag:s10] =	ssyncset.done $0x0  }
.LBB2_2:
0x23: {  	s17 =	sshra.s32 s16, $0x2;
	[sflag:s10] =	ssyncadd.s32 $0xFFFFFF80;
	p0 =	sne.s32 s16, $0x9E00  }
0x24: {  	[spmem:s2] =	stream.indirect.scatter.add.f32 [tilespmem:s12], [sflag:$0x1], $0x1, s17, s11, $0xb8;
	[tilespmem:$0x2B00] =	vst v63  }
.Ltmp0:
0x25: {  	_ = 	snop;
	(pc) =	sbr.rel @p0 .LBB2_2-.Ltmp0, $4  }
0x26: {  	_ = 	snop  }
0x27: {  	s16 =	sadd.s32 $0x200, s16  }
0x28: {  	_ =	swait.ge [sflag:s10], $0x80  }
0x29: {  	[sflag:s10] =	ssyncset.done $0x0  }
0x2a: {  	s15 =	sadd.s32 $0x1, s15  }
0x2b: {  	[sflag:s10] =	ssyncadd.s32 $0xFFFFFF80;
	p0 =	sne.s32 s15, s8  }
.Ltmp1:
0x2c: {  	[bflag:$0x0] =	sbarrier.arrive $0xFFFF;
	(pc) =	sbr.rel @p0 .LBB2_1-.Ltmp1, $4  }
0x2d: {  	[hbm:s7@s13], [sflag:s5] =	dma.strided [spmem:s9@s14], $0x50, s10, $0x10   }
0x2e: {  	_ =	swait.ge [sflag:s10], $0x50  }
0x2f: {  	[sflag:s10] =	ssyncset.done $0x0  }
0x30: {  	[sflag:s10] =	ssyncadd.s32 $0xFFFFFFB0  }
0x31: {  	_ =	sfence.sel $0x180000  }
0x32: {  	[bflag:$0x0] =	sbarrier.arrive $0xFFFF  }
0x33: {  	p0 =	sne.s32 s0, $0x0;
	_ =	strace $0x90000047  }
0x34: {  	s0 =	sadd.s32 @!p0 $0x100000, s1;
	[bflag:$0x2] =	sbarrier.arrive $0xFFFF  }
0x35: {  	[sflag:s0] =	ssyncadd.tile.s32 @!p0 $0x1;
	_ =	shalt  }
.Lfunc_end2:
_tile_overlayer_lowered:
.L_overlay_start_2:
0x36: {  	(tag) =	ssettag $0x2  }
0x37: {  	s0 =	rddreg [dreg:$0x0];
	s2 =	stileid.u32  }
0x38: {  	s1 =	rddreg [dreg:$0x1];
	p0 =	sne.s32 s2, $0x0  }
0x39: {  	s3 =	rddreg [dreg:$0x2];
	[bflag:$0x3] =	sbarrier.arrive $0xFFFF;
	s2 =	simm.s32 @!p0 $0x1C01  }
0x3a: {  	[timem:s3], [sflag:s2] =	dma.local @!p0 [hbm:s0], s1  }
0x3b: {  	s0 =	simm.s32 @!p0 $0x1  }
0x3c: {  	_ =	swait.ge @!p0 [sflag:s0], s1  }
0x3d: {  	s1 =	ssub.s32 @!p0 $0x0, s1;
	[sflag:s0] =	ssyncset.done @!p0 $0x0  }
0x3e: {  	[sflag:s0] =	ssyncadd.s32 @!p0 s1  }
0x3f: {  	[bflag:$0x3] =	sbarrier.arrive $0xFFFF  }
0x40: {  	_ =	shalt  }

// kernel: kernel.14.cloned.1.call-start
scs
__scs_entry_jumppad:
0x0: {  	(pc) =	sbr.rel $0x88, $3  }
0x1: {  	(tag) =	ssettag $0x0;
	lr =	simm.s32 $0x1  }
0x2: {  	[smem:$0x3F91] =	sst lr;
	_ =	strace $0xD0000000  }
0x3: {  	_ = 	snop  }
0x4: {  	_ = 	snop  }
0x5: {  	_ = 	snop  }
0x6: {  	_ = 	snop  }
0x7: {  	_ = 	snop  }
__scs_overlays_trampoline_lowered:
0x8: {  	[smem:$0x3FA0] =	sst s0  }
0x9: {  	[smem:$0x3FA1] =	sst s1  }
0xa: {  	[smem:$0x3FA2] =	sst s2  }
0xb: {  	[smem:$0x3FA3] =	sst s3  }
0xc: {  	[smem:$0x3FA4] =	sst s4  }
0xd: {  	[smem:$0x3FA5] =	sst s5  }
0xe: {  	[smem:$0x3FA6] =	sst s6  }
0xf: {  	[smem:$0x3FA7] =	sst s7  }
0x10: {  	[smem:$0x3FA8] =	sst s8  }
0x11: {  	[smem:$0x3FA9] =	sst s9;
	s0 =	simm.s32 @!p0 $0x0  }
0x12: {  	s1 =	sld [smem:$0x3F8F];
	s0 =	simm.s32 @p0 $0x1  }
0x13: {  	[smem:$0x3FAA] =	sst s0;
	s0 =	simm.s32 @!p1 $0x0  }
0x14: {  	s2 =	sld [smem:$0x3F8E];
	s0 =	simm.s32 @p1 $0x1  }
0x15: {  	[smem:$0x3FAB] =	sst s0;
	s0 =	simm.s32 @!p2 $0x0  }
0x16: {  	s3 =	sld [smem:$0x3FDB];
	s0 =	simm.s32 @p2 $0x1  }
0x17: {  	s4 =	simm.s32 $0x1BF5;
	[smem:$0x3FAD] =	sst s0  }
0x18: {  	s0 =	sld [smem:$0x3F90];
	_ =	swait.ge [sflag:s4], $0x0  }
0x19: {  	s7 =	sld [smem:$0x3F91]  }
0x1a: {  	s8 =	sadd.s32 $0xFFFFE003, lr  }
0x1b: {  	s9 =	sadd.s32 $0xFFFFFEF7, lr;
	s5 =	simm.s32 $0xFFFFFFFF;
	p2 =	slt.u32 s8, $0xFFFFF086  }
0x1c: {  	p1 =	slt.u32 s9, $0xF7A;
	s5 =	simm.s32 @!p2 $0x0  }
0x1d: {  	s5 =	simm.s32 @p1 $0x1;
	p0 =	seq.s32 s7, s2  }
0x1e: {  	s7 =	smul.u32 @!p0 $0xF7A, s2;
	p2 =	seq.s32 @!p0 s5, $0x0  }
0x1f: {  	s9 =	smul.u32 $0xF7A, s1;
	s8 =	simm.s32 @!p0 $0x1BF5;
	p2 =	por !p2, p0  }
0x20: {  	[sflag:s8] =	ssyncset.s32 @!p0 $0xFFFFF086;
	s6 =	sadd.s32 @!p0 s3, s7;
	s7 =	simm.s32 @!p0 $0x108  }
0x21: {  	s3 =	sadd.s32 s3, s9;
	s6 =	sadd.s32 @!p0 $0x88, s6;
	s7 =	simm.s32 @p2 $0x1082  }
0x22: {  	[simem:s7], [sflag:s8] =	dma.local @!p0 [hbm:s6], $0xF7A  }
0x23: {  	s9 =	sor.u32 $0xD0000000, s2;
	s6 =	simm.s32 $0x108;
	_ =	swait.ge @!p0 [sflag:s8], $0x0  }
0x24: {  	s3 =	sadd.s32 $0x88, s3;
	s6 =	simm.s32 @!p1 $0x1082;
	[sflag:s4] =	ssyncset.s32 $0xFFFFF086  }
0x25: {  	[simem:s6], [sflag:s4] =	dma.local [hbm:s3], $0xF7A  }
0x26: {  	[smem:$0x3F91] =	sst s1;
	(tag) =	ssettag s2;
	_ =	strace s9  }
0x27: {  	s1 =	sld [smem:$0x3FA1]  }
0x28: {  	s2 =	sld [smem:$0x3FA2]  }
0x29: {  	s4 =	sld [smem:$0x3FA4]  }
0x2a: {  	p0 =	seq.s32 s5, $0x0;
	s5 =	sld [smem:$0x3FA5]  }
0x2b: {  	s6 =	sld [smem:$0x3FA6]  }
0x2c: {  	s7 =	sld [smem:$0x3FA7]  }
0x2d: {  	s3 =	simm.s32 $0x108;
	s8 =	sld [smem:$0x3FA8]  }
0x2e: {  	s3 =	simm.s32 @!p0 $0x1082;
	s9 =	sld [smem:$0x3FA9]  }
0x2f: {  	lr =	sadd.s32 s0, s3;
	s0 =	sld [smem:$0x3FA0]  }
0x30: {  	s3 =	sld [smem:$0x3FA3]  }
0x31: {  	[smem:$0x3FAC] =	sst s10  }
0x32: {  	s10 =	sld [smem:$0x3FAA];
	_ =	sdelay $0x3  }
0x33: {  	p0 =	seq.s32 s10, $0x1;
	s10 =	sld [smem:$0x3FAC];
	_ =	sdelay $0x3  }
0x34: {  	[smem:$0x3FAC] =	sst s10  }
0x35: {  	s10 =	sld [smem:$0x3FAB];
	_ =	sdelay $0x3  }
0x36: {  	p1 =	seq.s32 s10, $0x1;
	s10 =	sld [smem:$0x3FAC];
	_ =	sdelay $0x3  }
0x37: {  	[smem:$0x3FAC] =	sst s10  }
0x38: {  	s10 =	sld [smem:$0x3FAD]  }
0x39: {  	_ = 	snop;
	(pc) =	sbr.ind lr, $3  }
0x3a: {  	_ = 	snop  }
0x3b: {  	_ = 	snop  }
0x3c: {  	p2 =	seq.s32 s10, $0x1;
	s10 =	sld [smem:$0x3FAC]  }
0x3d: {  	_ =	shalt  }
0x3e: {  	_ =	shalt  }
0x3f: {  	_ =	shalt  }
0x40: {  	_ =	shalt  }
0x41: {  	_ =	shalt  }
0x42: {  	_ =	shalt  }
0x43: {  	_ =	shalt  }
0x44: {  	_ =	shalt  }
0x45: {  	_ =	shalt  }
0x46: {  	_ =	shalt  }
0x47: {  	_ =	shalt  }
0x48: {  	_ =	shalt  }
0x49: {  	_ =	shalt  }
0x4a: {  	_ =	shalt  }
0x4b: {  	_ =	shalt  }
0x4c: {  	_ =	shalt  }
0x4d: {  	_ =	shalt  }
0x4e: {  	_ =	shalt  }
0x4f: {  	_ =	shalt  }
0x50: {  	_ =	shalt  }
0x51: {  	_ =	shalt  }
0x52: {  	_ =	shalt  }
0x53: {  	_ =	shalt  }
0x54: {  	_ =	shalt  }
0x55: {  	_ =	shalt  }
0x56: {  	_ =	shalt  }
0x57: {  	_ =	shalt  }
0x58: {  	_ =	shalt  }
0x59: {  	_ =	shalt  }
0x5a: {  	_ =	shalt  }
0x5b: {  	_ =	shalt  }
0x5c: {  	_ =	shalt  }
0x5d: {  	_ =	shalt  }
0x5e: {  	_ =	shalt  }
0x5f: {  	_ =	shalt  }
0x60: {  	_ =	shalt  }
0x61: {  	_ =	shalt  }
0x62: {  	_ =	shalt  }
0x63: {  	_ =	shalt  }
0x64: {  	_ =	shalt  }
0x65: {  	_ =	shalt  }
0x66: {  	_ =	shalt  }
0x67: {  	_ =	shalt  }
0x68: {  	_ =	shalt  }
0x69: {  	_ =	shalt  }
0x6a: {  	_ =	shalt  }
0x6b: {  	_ =	shalt  }
0x6c: {  	_ =	shalt  }
0x6d: {  	_ =	shalt  }
0x6e: {  	_ =	shalt  }
0x6f: {  	_ =	shalt  }
0x70: {  	_ =	shalt  }
0x71: {  	_ =	shalt  }
0x72: {  	_ =	shalt  }
0x73: {  	_ =	shalt  }
0x74: {  	_ =	shalt  }
0x75: {  	_ =	shalt  }
0x76: {  	_ =	shalt  }
0x77: {  	_ =	shalt  }
0x78: {  	_ =	shalt  }
0x79: {  	_ =	shalt  }
0x7a: {  	_ =	shalt  }
0x7b: {  	_ =	shalt  }
0x7c: {  	_ =	shalt  }
0x7d: {  	_ =	shalt  }
0x7e: {  	_ =	shalt  }
0x7f: {  	_ =	shalt  }
0x80: {  	_ =	shalt  }
0x81: {  	_ =	shalt  }
0x82: {  	_ =	shalt  }
0x83: {  	_ =	shalt  }
0x84: {  	_ =	shalt  }
0x85: {  	_ =	shalt  }
0x86: {  	_ =	shalt  }
0x87: {  	_ =	shalt  }
.Lfunc_end0:
.L_simem_size_0:
called_computation.1_lowered:
.L_overlay_start_0:
0x88: {  	s2 =	sld [smem:$0x3FD9]  }
0x89: {  	s3 =	sld [smem:$0x3FFE];
	_ =	sdelay $0x1  }
0x8a: {  	s1 =	srdreg.scid  }
0x8b: {  	s0 =	sand.u32 $0x1, s1  }
0x8c: {  	s16 =	sshll.u32 s0, $0xA;
	s2 =	sadd.s32 s3, s2  }
0x8d: {  	s2 =	sadd.s32 s2, s16  }
0x8e: {  	[smem:$0x3FB8] =	sst s2  }
0x8f: {  	_ = 	snop  }
0x90: {  	(tm) =	ssettm $0x1  }
0x91: {  	s17 =	sld [smem:$0x3FFB];
	_ =	sdelay $0x3  }
0x92: {  	_ =	strace s17  }
0x93: {  	s2 =	sld [smem:$0x3FFC];
	_ =	sdelay $0x3  }
0x94: {  	_ =	strace s2  }
0x95: {  	s2 =	sld [smem:$0x3FFD];
	_ =	sdelay $0x3  }
0x96: {  	_ =	strace s2  }
0x97: {  	_ =	strace $0x8FFFFFFF  }
0x98: {  	s18 =	sld [smem:$0x3FDB];
	_ =	sdelay $0x1  }
0x99: {  	s19 =	simm.s32 $_scs_section_size  }
0x9a: {  	s4 =	simm.s32 $_size__tile_overlayer_lowered;
	s5 =	simm.s32 $_tile_overlayer_lowered  }
0x9b: {  	s22 =	simm.s32 $0x1BFF;
	s21 =	sshll.u32 s5, $0x1;
	s2 =	sadd.s32 s19, s18  }
0x9c: {  	s6 =	simm.s32 $0x0;
	s20 =	sshll.u32 s4, $0x1;
	s4 =	sadd.s32 s21, s2  }
0x9d: {  	[timem:s6], [sflag:s22] =	dma.local [hbm:s4], s20  }
0x9e: {  	_ =	swait.ge [sflag:s22], s20  }
0x9f: {  	s3 =	ssub.s32 $0x0, s20;
	[sflag:s22] =	ssyncset.done $0x0  }
0xa0: {  	[sflag:s22] =	ssyncadd.s32 s3;
	_ =	sdelay $0x1  }
0xa1: {  	s23 =	simm.s32 $0x1B8B  }
0xa2: {  	_ =	swait.ge [sflag:s23], $0x1  }
0xa3: {  	[sflag:s23] =	ssyncset.done $0x0  }
0xa4: {  	s25 =	simm.s32 $0x1B8E;
	s24 =	sld [smem:$0x3FFE];
	[sflag:s23] =	ssyncadd.s32 $0xFFFFFFFF  }
0xa5: {  	s26 =	simm.s32 $execute0_lowered;
	[smem:$0x3FD2] =	sst s25  }
0xa6: {  	s4 =	sshll.u32 s26, $0x1;
	_ =	strace $0x80000049;
	[dreg:$0x1] =	wrdreg $0xFFFFFFFF  }
0xa7: {  	s28 =	simm.s32 $_size_execute0_lowered;
	s2 =	sadd.s32 s2, s4;
	[dreg:$0x0] =	wrdreg $0x0  }
0xa8: {  	s4 =	sshll.u32 s28, $0x1;
	[dreg:$0x2] =	wrdreg s2  }
0xa9: {  	[dreg:$0x3] =	wrdreg s4  }
0xaa: {  	[dreg:$0x4] =	wrdreg $0xC0  }
0xab: {  	_ =	task [dreg:s6], $0x5FFFF  }
0xac: {  	[dreg:$0x1] =	wrdreg $0xFFFFFFFF  }
0xad: {  	[dreg:$0x0] =	wrdreg $0x60  }
0xae: {  	[dreg:$0x2] =	wrdreg s24  }
0xaf: {  	[dreg:$0x3] =	wrdreg $0x90000  }
0xb0: {  	[dreg:$0x4] =	wrdreg $0x9  }
0xb1: {  	_ =	task.clear_ibuf [dreg:s6], $0x5FFFF;
	_ =	strace $0x90000049  }
0xb2: {  	s29 =	simm.s32 $0x9;
	_ =	strace $0x8000004B  }
0xb3: {  	_ =	swait.ge [sflag:s29], $0x1  }
0xb4: {  	[sflag:s29] =	ssyncadd.s32 $0xFFFFFFFF  }
0xb5: {  	_ =	strace $0x9000004B  }
0xb6: {  	_ =	sfence  }
0xb7: {  	s30 =	sld [smem:$0x0];
	_ =	sdelay $0x2  }
0xb8: {  	s31 =	sshll.u32 s1, $0xD;
	s1 =	sshrl.u32 s1, $0x2  }
0xb9: {  	s3 =	sand.u32 $0x4000, s31;
	s1 =	sadd.s32 s1, s30  }
0xba: {  	s0 =	sor.u32 s3, s0;
	s1 =	sshll.u32 s1, $0x11  }
0xbb: {  	s0 =	sor.u32 s1, s0  }
0xbc: {  	s0 =	sadd.s32 $0x8F2B, s0  }
0xbd: {  	[sflag:s0] =	ssyncadd.remote.s32 $0x1  }
0xbe: {  	_ =	sfence.sel $0xFFFF  }
0xbf: {  	[dreg:$0x0] =	wrdreg $0xFFFFFFFF;
	(pc) =	sbr.abs _section_cstart, $3  }
0xc0: {  	[dreg:$0x1] =	wrdreg $0xFFFFFFFF  }
0xc1: {  	_ =	task.clear_ibuf [dreg:s6], $0x2FFFF;
	_ =	strace $0x9FFFFFFF  }
0xc2: {  	(tm) =	ssettm $0x7FFFFFFF  }
0xc3: {  	_ =	shalt  }
tec
execute0_lowered:
.L_overlay_start_1:
0x0: {  	(tag) =	ssettag $0x1  }
0x1: {  	s0 =	srdreg.scid;
	s6 =	rddreg [dreg:$0x0]  }
0x2: {  	s2 =	rddreg [dreg:$0x1];
	s3 =	simm.s32 $0x0;
	s14 =	simm.s32 $0x80  }
0x3: {  	s15 =	simm.s32 $0x5000;
	s5 =	sand.u32 $0x1, s0;
	s0 =	stileid.u32  }
0x4: {  	s16 =	simm.s32 $0x1;
	s17 =	simm.s32 $0x0;
	s8 =	smul.u32 $0x14000, s0  }
0x5: {  	[smem:$0x7FF] =	sst s3;
	s1 =	sshll.u32 s5, $0x4;
	s9 =	smul.u32 $0x140000, s5  }
0x6: {  	s5 =	ssub.s32 $0x2, s5;
	s29 =	smul.u32 $0x50000, s0;
	s31 =	sshll.u32 s0, $0x6  }
0x7: {  	s4 =	sor.u32 s0, s1;
	s1 =	rddreg [dreg:$0x2];
	_ =	strace $0x8000004A  }
0x8: {  	s11 =	sshrl.u32 s5, $0x1;
	s7 =	smul.u32 $0x500, s4;
	s4 =	sadd.s32 $0x40200, s6  }
0x9: {  	s28 =	sshrl.u32 s8, $0x3;
	s8 =	sadd.s32 s8, s9;
	s30 =	sshrl.u32 s29, $0x2  }
0xa: {  	s11 =	ssub.s32 s5, s11;
	s8 =	sshrl.u32 s8, $0x3;
	s13 =	sadd.s32 s30, s2  }
0xb: {  	s10 =	sadd.s32 s7, s6;
	s7 =	sadd.s32 s28, s6;
	s12 =	sadd.s32 s8, s6  }
0xc: {  	s6 =	sor.u32 $0x1C02, s31;
	s5 =	sadd.s32 $0x67400, s7;
	s7 =	sadd.s32 $0xF000, s10  }
0xd: {  	s8 =	sadd.s32 $0x5000, s10;
	s9 =	sadd.s32 $0x8F400, s12;
	s10 =	smax.u32 s11, $0x1  }
0xe: {  	s11 =	sshrl.u32 s13, $0x3;
	s12 =	simm.s32 $0x2;
	s13 =	simm.s32 $0x2800  }
.LBB2_1:
0xf: {  	[spmem:s11], [sflag:s6] =	dma.local [hbm:s5], $0x2800  }
0x10: {  	_ =	swait.ge [sflag:s12], $0x2800  }
0x11: {  	[sflag:s12] =	ssyncset.done $0x0  }
0x12: {  	[sflag:s12] =	ssyncadd.s32 $0xFFFFD800  }
0x13: {  	[tilespmem:s3], [sflag:$0x2] =	stream.linear.gather [hbm4b:s7+s3], $0x2800, $0x38;
	[tilespmem:$0x1D000] =	vst v63  }
0x14: {  	_ =	swait.ge [sflag:s12], $0x2800  }
0x15: {  	[sflag:s12] =	ssyncset.done $0x0  }
0x16: {  	[sflag:s12] =	ssyncadd.s32 $0xFFFFD800  }
0x17: {  	[tilespmem:s13], [sflag:$0x2] =	stream.linear.gather [hbm4b:s8+s3], $0x2800, $0x38;
	[tilespmem:$0x1D000] =	vst v63  }
0x18: {  	_ =	swait.ge [sflag:s12], $0x2800  }
0x19: {  	[sflag:s12] =	ssyncset.done $0x0  }
0x1a: {  	[sflag:s12] =	ssyncadd.s32 $0xFFFFD800  }
0x1b: {  	s18 =	simm.s32 $0x0;
	[bflag:$0x0] =	sbarrier.arrive $0xFFFF  }
0x1c: {  	[tilespmem:s15], [sflag:$0x1] =	stream.indirect.gather [hbm4b:s4+s14], $0x80, s18, s14, $0xb8;
	[tilespmem:$0x1D000] =	vst v63  }
0x1d: {  	_ =	swait.ge [sflag:s16], $0x4000  }
0x1e: {  	[sflag:s16] =	ssyncset.done $0x0  }
0x1f: {  	s31 =	simm.s32 $0x2800;
	[sflag:s16] =	ssyncadd.s32 $0xFFFFC000  }
0x20: {  	[spmem:s2] =	stream.indirect.scatter.add.f32 [tilespmem:s15], [sflag:$0x2], $0x80, s31, s14, $0xb8;
	[tilespmem:$0x1D000] =	vst v63  }
0x21: {  	_ =	swait.ge [sflag:s12], $0x4000  }
0x22: {  	s19 =	simm.s32 $0x400;
	s18 =	simm.s32 $0x200;
	[sflag:s12] =	ssyncset.done $0x0  }
.LBB2_2:
0x23: {  	s20 =	sshra.s32 s18, $0x2  }
0x24: {  	[sflag:s12] =	ssyncadd.s32 $0xFFFFC000;
	s18 =	smov.u32 s19;
	s21 =	sadd.s32 $0x200, s19  }
0x25: {  	[tilespmem:s15], [sflag:$0x1] =	stream.indirect.gather [hbm4b:s4+s14], $0x80, s20, s14, $0xb8;
	[tilespmem:$0x1D000] =	vst v63  }
0x26: {  	p0 =	sne.s32 s19, $0x9E00;
	_ =	swait.ge [sflag:s16], $0x4000  }
.Ltmp0:
0x27: {  	[sflag:s16] =	ssyncset.done $0x0;
	(pc) =	sbr.rel @p0 .LBB2_2-.Ltmp0, $4  }
0x28: {  	s19 =	sadd.s32 $0x2800, s20;
	[sflag:s16] =	ssyncadd.s32 $0xFFFFC000  }
0x29: {  	[spmem:s2] =	stream.indirect.scatter.add.f32 [tilespmem:s15], [sflag:$0x2], $0x80, s19, s14, $0xb8;
	[tilespmem:$0x1D000] =	vst v63  }
0x2a: {  	_ =	swait.ge [sflag:s12], $0x4000  }
0x2b: {  	s19 =	smov.u32 s21;
	[sflag:s12] =	ssyncset.done $0x0  }
0x2c: {  	s18 =	sshra.s32 s18, $0x2;
	[sflag:s12] =	ssyncadd.s32 $0xFFFFC000  }
0x2d: {  	[tilespmem:s15], [sflag:$0x1] =	stream.indirect.gather [hbm4b:s4+s14], $0x80, s18, s14, $0xb8;
	[tilespmem:$0x1D000] =	vst v63  }
0x2e: {  	_ =	swait.ge [sflag:s16], $0x4000  }
0x2f: {  	[sflag:s16] =	ssyncset.done $0x0  }
0x30: {  	s18 =	sadd.s32 $0x2800, s18;
	[sflag:s16] =	ssyncadd.s32 $0xFFFFC000  }
0x31: {  	[spmem:s2] =	stream.indirect.scatter.add.f32 [tilespmem:s15], [sflag:$0x2], $0x80, s18, s14, $0xb8;
	[tilespmem:$0x1D000] =	vst v63  }
0x32: {  	_ =	swait.ge [sflag:s12], $0x4000  }
0x33: {  	s17 =	sadd.s32 $0x1, s17;
	[sflag:s12] =	ssyncset.done $0x0  }
0x34: {  	p0 =	sne.s32 s17, s10;
	[sflag:s12] =	ssyncadd.s32 $0xFFFFC000  }
.Ltmp1:
0x35: {  	[bflag:$0x0] =	sbarrier.arrive $0xFFFF;
	(pc) =	sbr.rel @p0 .LBB2_1-.Ltmp1, $4  }
0x36: {  	[hbm:s9], [sflag:s6] =	dma.local [spmem:s11], $0x2800  }
0x37: {  	_ =	swait.ge [sflag:s12], $0x2800  }
0x38: {  	[sflag:s12] =	ssyncset.done $0x0  }
0x39: {  	[sflag:s12] =	ssyncadd.s32 $0xFFFFD800  }
0x3a: {  	_ =	sfence.sel $0x180000  }
0x3b: {  	[bflag:$0x0] =	sbarrier.arrive $0xFFFF  }
0x3c: {  	p0 =	sne.s32 s0, $0x0;
	_ =	strace $0x9000004A  }
0x3d: {  	s0 =	sadd.s32 @!p0 $0x100000, s1;
	[bflag:$0x2] =	sbarrier.arrive $0xFFFF  }
0x3e: {  	[sflag:s0] =	ssyncadd.tile.s32 @!p0 $0x1;
	_ =	shalt  }
.Lfunc_end2:
_tile_overlayer_lowered:
.L_overlay_start_2:
0x3f: {  	(tag) =	ssettag $0x2  }
0x40: {  	s0 =	rddreg [dreg:$0x0];
	s2 =	stileid.u32  }
0x41: {  	s1 =	rddreg [dreg:$0x1];
	p0 =	sne.s32 s2, $0x0  }
0x42: {  	s3 =	rddreg [dreg:$0x2];
	[bflag:$0x3] =	sbarrier.arrive $0xFFFF;
	s2 =	simm.s32 @!p0 $0x1C02  }
0x43: {  	[timem:s3], [sflag:s2] =	dma.local @!p0 [hbm:s0], s1  }
0x44: {  	s0 =	simm.s32 @!p0 $0x2  }
0x45: {  	_ =	swait.ge @!p0 [sflag:s0], s1  }
0x46: {  	s1 =	ssub.s32 @!p0 $0x0, s1;
	[sflag:s0] =	ssyncset.done @!p0 $0x0  }
0x47: {  	[sflag:s0] =	ssyncadd.s32 @!p0 s1  }
0x48: {  	[bflag:$0x3] =	sbarrier.arrive $0xFFFF  }
0x49: {  	_ =	shalt  }

// kernel: kernel.17.cloned.1.call-start
scs
__scs_entry_jumppad:
0x0: {  	(pc) =	sbr.rel $0x88, $3  }
0x1: {  	(tag) =	ssettag $0x0;
	lr =	simm.s32 $0x1  }
0x2: {  	[smem:$0x3F91] =	sst lr;
	_ =	strace $0xD0000000  }
0x3: {  	_ = 	snop  }
0x4: {  	_ = 	snop  }
0x5: {  	_ = 	snop  }
0x6: {  	_ = 	snop  }
0x7: {  	_ = 	snop  }
__scs_overlays_trampoline_lowered:
0x8: {  	[smem:$0x3FA0] =	sst s0  }
0x9: {  	[smem:$0x3FA1] =	sst s1  }
0xa: {  	[smem:$0x3FA2] =	sst s2  }
0xb: {  	[smem:$0x3FA3] =	sst s3  }
0xc: {  	[smem:$0x3FA4] =	sst s4  }
0xd: {  	[smem:$0x3FA5] =	sst s5  }
0xe: {  	[smem:$0x3FA6] =	sst s6  }
0xf: {  	[smem:$0x3FA7] =	sst s7  }
0x10: {  	[smem:$0x3FA8] =	sst s8  }
0x11: {  	[smem:$0x3FA9] =	sst s9;
	s0 =	simm.s32 @!p0 $0x0  }
0x12: {  	s1 =	sld [smem:$0x3F8F];
	s0 =	simm.s32 @p0 $0x1  }
0x13: {  	[smem:$0x3FAA] =	sst s0;
	s0 =	simm.s32 @!p1 $0x0  }
0x14: {  	s2 =	sld [smem:$0x3F8E];
	s0 =	simm.s32 @p1 $0x1  }
0x15: {  	[smem:$0x3FAB] =	sst s0;
	s0 =	simm.s32 @!p2 $0x0  }
0x16: {  	s3 =	sld [smem:$0x3FDB];
	s0 =	simm.s32 @p2 $0x1  }
0x17: {  	s4 =	simm.s32 $0x1BF5;
	[smem:$0x3FAD] =	sst s0  }
0x18: {  	s0 =	sld [smem:$0x3F90];
	_ =	swait.ge [sflag:s4], $0x0  }
0x19: {  	s7 =	sld [smem:$0x3F91]  }
0x1a: {  	s8 =	sadd.s32 $0xFFFFE003, lr  }
0x1b: {  	s9 =	sadd.s32 $0xFFFFFEF7, lr;
	s5 =	simm.s32 $0xFFFFFFFF;
	p2 =	slt.u32 s8, $0xFFFFF086  }
0x1c: {  	p1 =	slt.u32 s9, $0xF7A;
	s5 =	simm.s32 @!p2 $0x0  }
0x1d: {  	s5 =	simm.s32 @p1 $0x1;
	p0 =	seq.s32 s7, s2  }
0x1e: {  	s7 =	smul.u32 @!p0 $0xF7A, s2;
	p2 =	seq.s32 @!p0 s5, $0x0  }
0x1f: {  	s9 =	smul.u32 $0xF7A, s1;
	s8 =	simm.s32 @!p0 $0x1BF5;
	p2 =	por !p2, p0  }
0x20: {  	[sflag:s8] =	ssyncset.s32 @!p0 $0xFFFFF086;
	s6 =	sadd.s32 @!p0 s3, s7;
	s7 =	simm.s32 @!p0 $0x108  }
0x21: {  	s3 =	sadd.s32 s3, s9;
	s6 =	sadd.s32 @!p0 $0x88, s6;
	s7 =	simm.s32 @p2 $0x1082  }
0x22: {  	[simem:s7], [sflag:s8] =	dma.local @!p0 [hbm:s6], $0xF7A  }
0x23: {  	s9 =	sor.u32 $0xD0000000, s2;
	s6 =	simm.s32 $0x108;
	_ =	swait.ge @!p0 [sflag:s8], $0x0  }
0x24: {  	s3 =	sadd.s32 $0x88, s3;
	s6 =	simm.s32 @!p1 $0x1082;
	[sflag:s4] =	ssyncset.s32 $0xFFFFF086  }
0x25: {  	[simem:s6], [sflag:s4] =	dma.local [hbm:s3], $0xF7A  }
0x26: {  	[smem:$0x3F91] =	sst s1;
	(tag) =	ssettag s2;
	_ =	strace s9  }
0x27: {  	s1 =	sld [smem:$0x3FA1]  }
0x28: {  	s2 =	sld [smem:$0x3FA2]  }
0x29: {  	s4 =	sld [smem:$0x3FA4]  }
0x2a: {  	p0 =	seq.s32 s5, $0x0;
	s5 =	sld [smem:$0x3FA5]  }
0x2b: {  	s6 =	sld [smem:$0x3FA6]  }
0x2c: {  	s7 =	sld [smem:$0x3FA7]  }
0x2d: {  	s3 =	simm.s32 $0x108;
	s8 =	sld [smem:$0x3FA8]  }
0x2e: {  	s3 =	simm.s32 @!p0 $0x1082;
	s9 =	sld [smem:$0x3FA9]  }
0x2f: {  	lr =	sadd.s32 s0, s3;
	s0 =	sld [smem:$0x3FA0]  }
0x30: {  	s3 =	sld [smem:$0x3FA3]  }
0x31: {  	[smem:$0x3FAC] =	sst s10  }
0x32: {  	s10 =	sld [smem:$0x3FAA];
	_ =	sdelay $0x3  }
0x33: {  	p0 =	seq.s32 s10, $0x1;
	s10 =	sld [smem:$0x3FAC];
	_ =	sdelay $0x3  }
0x34: {  	[smem:$0x3FAC] =	sst s10  }
0x35: {  	s10 =	sld [smem:$0x3FAB];
	_ =	sdelay $0x3  }
0x36: {  	p1 =	seq.s32 s10, $0x1;
	s10 =	sld [smem:$0x3FAC];
	_ =	sdelay $0x3  }
0x37: {  	[smem:$0x3FAC] =	sst s10  }
0x38: {  	s10 =	sld [smem:$0x3FAD]  }
0x39: {  	_ = 	snop;
	(pc) =	sbr.ind lr, $3  }
0x3a: {  	_ = 	snop  }
0x3b: {  	_ = 	snop  }
0x3c: {  	p2 =	seq.s32 s10, $0x1;
	s10 =	sld [smem:$0x3FAC]  }
0x3d: {  	_ =	shalt  }
0x3e: {  	_ =	shalt  }
0x3f: {  	_ =	shalt  }
0x40: {  	_ =	shalt  }
0x41: {  	_ =	shalt  }
0x42: {  	_ =	shalt  }
0x43: {  	_ =	shalt  }
0x44: {  	_ =	shalt  }
0x45: {  	_ =	shalt  }
0x46: {  	_ =	shalt  }
0x47: {  	_ =	shalt  }
0x48: {  	_ =	shalt  }
0x49: {  	_ =	shalt  }
0x4a: {  	_ =	shalt  }
0x4b: {  	_ =	shalt  }
0x4c: {  	_ =	shalt  }
0x4d: {  	_ =	shalt  }
0x4e: {  	_ =	shalt  }
0x4f: {  	_ =	shalt  }
0x50: {  	_ =	shalt  }
0x51: {  	_ =	shalt  }
0x52: {  	_ =	shalt  }
0x53: {  	_ =	shalt  }
0x54: {  	_ =	shalt  }
0x55: {  	_ =	shalt  }
0x56: {  	_ =	shalt  }
0x57: {  	_ =	shalt  }
0x58: {  	_ =	shalt  }
0x59: {  	_ =	shalt  }
0x5a: {  	_ =	shalt  }
0x5b: {  	_ =	shalt  }
0x5c: {  	_ =	shalt  }
0x5d: {  	_ =	shalt  }
0x5e: {  	_ =	shalt  }
0x5f: {  	_ =	shalt  }
0x60: {  	_ =	shalt  }
0x61: {  	_ =	shalt  }
0x62: {  	_ =	shalt  }
0x63: {  	_ =	shalt  }
0x64: {  	_ =	shalt  }
0x65: {  	_ =	shalt  }
0x66: {  	_ =	shalt  }
0x67: {  	_ =	shalt  }
0x68: {  	_ =	shalt  }
0x69: {  	_ =	shalt  }
0x6a: {  	_ =	shalt  }
0x6b: {  	_ =	shalt  }
0x6c: {  	_ =	shalt  }
0x6d: {  	_ =	shalt  }
0x6e: {  	_ =	shalt  }
0x6f: {  	_ =	shalt  }
0x70: {  	_ =	shalt  }
0x71: {  	_ =	shalt  }
0x72: {  	_ =	shalt  }
0x73: {  	_ =	shalt  }
0x74: {  	_ =	shalt  }
0x75: {  	_ =	shalt  }
0x76: {  	_ =	shalt  }
0x77: {  	_ =	shalt  }
0x78: {  	_ =	shalt  }
0x79: {  	_ =	shalt  }
0x7a: {  	_ =	shalt  }
0x7b: {  	_ =	shalt  }
0x7c: {  	_ =	shalt  }
0x7d: {  	_ =	shalt  }
0x7e: {  	_ =	shalt  }
0x7f: {  	_ =	shalt  }
0x80: {  	_ =	shalt  }
0x81: {  	_ =	shalt  }
0x82: {  	_ =	shalt  }
0x83: {  	_ =	shalt  }
0x84: {  	_ =	shalt  }
0x85: {  	_ =	shalt  }
0x86: {  	_ =	shalt  }
0x87: {  	_ =	shalt  }
.Lfunc_end0:
.L_simem_size_0:
called_computation.2_lowered:
.L_overlay_start_0:
0x88: {  	s2 =	sld [smem:$0x3FD9]  }
0x89: {  	s3 =	sld [smem:$0x3FFE];
	_ =	sdelay $0x1  }
0x8a: {  	s1 =	srdreg.scid  }
0x8b: {  	s0 =	sand.u32 $0x1, s1  }
0x8c: {  	s16 =	sshll.u32 s0, $0xA;
	s2 =	sadd.s32 s3, s2  }
0x8d: {  	s2 =	sadd.s32 s2, s16  }
0x8e: {  	[smem:$0x3FB8] =	sst s2  }
0x8f: {  	_ = 	snop  }
0x90: {  	(tm) =	ssettm $0x1  }
0x91: {  	s17 =	sld [smem:$0x3FFB];
	_ =	sdelay $0x3  }
0x92: {  	_ =	strace s17  }
0x93: {  	s2 =	sld [smem:$0x3FFC];
	_ =	sdelay $0x3  }
0x94: {  	_ =	strace s2  }
0x95: {  	s2 =	sld [smem:$0x3FFD];
	_ =	sdelay $0x3  }
0x96: {  	_ =	strace s2  }
0x97: {  	_ =	strace $0x8FFFFFFF  }
0x98: {  	s18 =	sld [smem:$0x3FDB];
	_ =	sdelay $0x1  }
0x99: {  	s19 =	simm.s32 $_scs_section_size  }
0x9a: {  	s4 =	simm.s32 $_size__tile_overlayer_lowered;
	s5 =	simm.s32 $_tile_overlayer_lowered  }
0x9b: {  	s22 =	simm.s32 $0x1BFF;
	s21 =	sshll.u32 s5, $0x1;
	s2 =	sadd.s32 s19, s18  }
0x9c: {  	s6 =	simm.s32 $0x0;
	s20 =	sshll.u32 s4, $0x1;
	s4 =	sadd.s32 s21, s2  }
0x9d: {  	[timem:s6], [sflag:s22] =	dma.local [hbm:s4], s20  }
0x9e: {  	_ =	swait.ge [sflag:s22], s20  }
0x9f: {  	s3 =	ssub.s32 $0x0, s20;
	[sflag:s22] =	ssyncset.done $0x0  }
0xa0: {  	[sflag:s22] =	ssyncadd.s32 s3;
	_ =	sdelay $0x1  }
0xa1: {  	s23 =	simm.s32 $0x1B8B  }
0xa2: {  	_ =	swait.ge [sflag:s23], $0x1  }
0xa3: {  	[sflag:s23] =	ssyncset.done $0x0  }
0xa4: {  	s25 =	simm.s32 $0x1B8E;
	s24 =	sld [smem:$0x3FFE];
	[sflag:s23] =	ssyncadd.s32 $0xFFFFFFFF  }
0xa5: {  	s26 =	simm.s32 $execute0_lowered;
	[smem:$0x3FD2] =	sst s25  }
0xa6: {  	s4 =	sshll.u32 s26, $0x1;
	_ =	strace $0x8000004C;
	[dreg:$0x1] =	wrdreg $0xFFFFFFFF  }
0xa7: {  	s28 =	simm.s32 $_size_execute0_lowered;
	s2 =	sadd.s32 s2, s4;
	[dreg:$0x0] =	wrdreg $0x0  }
0xa8: {  	s4 =	sshll.u32 s28, $0x1;
	[dreg:$0x2] =	wrdreg s2  }
0xa9: {  	[dreg:$0x3] =	wrdreg s4  }
0xaa: {  	[dreg:$0x4] =	wrdreg $0xC0  }
0xab: {  	_ =	task [dreg:s6], $0x5FFFF  }
0xac: {  	[dreg:$0x1] =	wrdreg $0xFFFFFFFF  }
0xad: {  	[dreg:$0x0] =	wrdreg $0x60  }
0xae: {  	[dreg:$0x2] =	wrdreg s24  }
0xaf: {  	[dreg:$0x3] =	wrdreg $0x90000  }
0xb0: {  	[dreg:$0x4] =	wrdreg $0x9  }
0xb1: {  	_ =	task.clear_ibuf [dreg:s6], $0x5FFFF;
	_ =	strace $0x9000004C  }
0xb2: {  	s29 =	simm.s32 $0x9;
	_ =	strace $0x8000004E  }
0xb3: {  	_ =	swait.ge [sflag:s29], $0x1  }
0xb4: {  	[sflag:s29] =	ssyncadd.s32 $0xFFFFFFFF  }
0xb5: {  	_ =	strace $0x9000004E  }
0xb6: {  	_ =	sfence  }
0xb7: {  	s30 =	sld [smem:$0x0];
	_ =	sdelay $0x2  }
0xb8: {  	s31 =	sshll.u32 s1, $0xD;
	s1 =	sshrl.u32 s1, $0x2  }
0xb9: {  	s3 =	sand.u32 $0x4000, s31;
	s1 =	sadd.s32 s1, s30  }
0xba: {  	s0 =	sor.u32 s3, s0;
	s1 =	sshll.u32 s1, $0x11  }
0xbb: {  	s0 =	sor.u32 s1, s0  }
0xbc: {  	s0 =	sadd.s32 $0x8F2B, s0  }
0xbd: {  	[sflag:s0] =	ssyncadd.remote.s32 $0x1  }
0xbe: {  	_ =	sfence.sel $0xFFFF  }
0xbf: {  	[dreg:$0x0] =	wrdreg $0xFFFFFFFF;
	(pc) =	sbr.abs _section_cstart, $3  }
0xc0: {  	[dreg:$0x1] =	wrdreg $0xFFFFFFFF  }
0xc1: {  	_ =	task.clear_ibuf [dreg:s6], $0x2FFFF;
	_ =	strace $0x9FFFFFFF  }
0xc2: {  	(tm) =	ssettm $0x7FFFFFFF  }
0xc3: {  	_ =	shalt  }
tec
execute0_lowered:
.L_overlay_start_1:
0x0: {  	(tag) =	ssettag $0x1  }
0x1: {  	s0 =	srdreg.scid;
	s6 =	rddreg [dreg:$0x0]  }
0x2: {  	s2 =	rddreg [dreg:$0x1];
	s3 =	simm.s32 $0x0;
	s14 =	simm.s32 $0x80  }
0x3: {  	s15 =	simm.s32 $0x5000;
	s5 =	sand.u32 $0x1, s0;
	s0 =	stileid.u32  }
0x4: {  	s16 =	simm.s32 $0x1;
	s17 =	simm.s32 $0x0;
	s8 =	smul.u32 $0x14000, s0  }
0x5: {  	[smem:$0x7FF] =	sst s3;
	s1 =	sshll.u32 s5, $0x4;
	s9 =	smul.u32 $0x140000, s5  }
0x6: {  	s5 =	ssub.s32 $0x2, s5;
	s29 =	smul.u32 $0x50000, s0;
	s31 =	sshll.u32 s0, $0x6  }
0x7: {  	s4 =	sor.u32 s0, s1;
	s1 =	rddreg [dreg:$0x2];
	_ =	strace $0x8000004D  }
0x8: {  	s11 =	sshrl.u32 s5, $0x1;
	s7 =	smul.u32 $0x500, s4;
	s4 =	sadd.s32 $0x8F400, s6  }
0x9: {  	s28 =	sshrl.u32 s8, $0x3;
	s8 =	sadd.s32 s8, s9;
	s30 =	sshrl.u32 s29, $0x2  }
0xa: {  	s11 =	ssub.s32 s5, s11;
	s8 =	sshrl.u32 s8, $0x3;
	s13 =	sadd.s32 s30, s2  }
0xb: {  	s10 =	sadd.s32 s7, s6;
	s7 =	sadd.s32 s28, s6;
	s12 =	sadd.s32 s8, s6  }
0xc: {  	s6 =	sor.u32 $0x1C02, s31;
	s5 =	sadd.s32 $0x67400, s7;
	s7 =	sadd.s32 $0xF000, s10  }
0xd: {  	s8 =	sadd.s32 $0x5000, s10;
	s9 =	sadd.s32 $0xB6600, s12;
	s10 =	smax.u32 s11, $0x1  }
0xe: {  	s11 =	sshrl.u32 s13, $0x3;
	s12 =	simm.s32 $0x2;
	s13 =	simm.s32 $0x2800  }
.LBB2_1:
0xf: {  	[spmem:s11], [sflag:s6] =	dma.local [hbm:s5], $0x2800  }
0x10: {  	_ =	swait.ge [sflag:s12], $0x2800  }
0x11: {  	[sflag:s12] =	ssyncset.done $0x0  }
0x12: {  	[sflag:s12] =	ssyncadd.s32 $0xFFFFD800  }
0x13: {  	[tilespmem:s3], [sflag:$0x2] =	stream.linear.gather [hbm4b:s7+s3], $0x2800, $0x38;
	[tilespmem:$0x1D000] =	vst v63  }
0x14: {  	_ =	swait.ge [sflag:s12], $0x2800  }
0x15: {  	[sflag:s12] =	ssyncset.done $0x0  }
0x16: {  	[sflag:s12] =	ssyncadd.s32 $0xFFFFD800  }
0x17: {  	[tilespmem:s13], [sflag:$0x2] =	stream.linear.gather [hbm4b:s8+s3], $0x2800, $0x38;
	[tilespmem:$0x1D000] =	vst v63  }
0x18: {  	_ =	swait.ge [sflag:s12], $0x2800  }
0x19: {  	[sflag:s12] =	ssyncset.done $0x0  }
0x1a: {  	[sflag:s12] =	ssyncadd.s32 $0xFFFFD800  }
0x1b: {  	s18 =	simm.s32 $0x0;
	[bflag:$0x0] =	sbarrier.arrive $0xFFFF  }
0x1c: {  	[tilespmem:s15], [sflag:$0x1] =	stream.indirect.gather [hbm4b:s4+s14], $0x80, s18, s14, $0xb8;
	[tilespmem:$0x1D000] =	vst v63  }
0x1d: {  	_ =	swait.ge [sflag:s16], $0x4000  }
0x1e: {  	[sflag:s16] =	ssyncset.done $0x0  }
0x1f: {  	s31 =	simm.s32 $0x2800;
	[sflag:s16] =	ssyncadd.s32 $0xFFFFC000  }
0x20: {  	[spmem:s2] =	stream.indirect.scatter.add.f32 [tilespmem:s15], [sflag:$0x2], $0x80, s31, s14, $0xb8;
	[tilespmem:$0x1D000] =	vst v63  }
0x21: {  	_ =	swait.ge [sflag:s12], $0x4000  }
0x22: {  	s19 =	simm.s32 $0x400;
	s18 =	simm.s32 $0x200;
	[sflag:s12] =	ssyncset.done $0x0  }
.LBB2_2:
0x23: {  	s20 =	sshra.s32 s18, $0x2  }
0x24: {  	[sflag:s12] =	ssyncadd.s32 $0xFFFFC000;
	s18 =	smov.u32 s19;
	s21 =	sadd.s32 $0x200, s19  }
0x25: {  	[tilespmem:s15], [sflag:$0x1] =	stream.indirect.gather [hbm4b:s4+s14], $0x80, s20, s14, $0xb8;
	[tilespmem:$0x1D000] =	vst v63  }
0x26: {  	p0 =	sne.s32 s19, $0x9E00;
	_ =	swait.ge [sflag:s16], $0x4000  }
.Ltmp0:
0x27: {  	[sflag:s16] =	ssyncset.done $0x0;
	(pc) =	sbr.rel @p0 .LBB2_2-.Ltmp0, $4  }
0x28: {  	s19 =	sadd.s32 $0x2800, s20;
	[sflag:s16] =	ssyncadd.s32 $0xFFFFC000  }
0x29: {  	[spmem:s2] =	stream.indirect.scatter.add.f32 [tilespmem:s15], [sflag:$0x2], $0x80, s19, s14, $0xb8;
	[tilespmem:$0x1D000] =	vst v63  }
0x2a: {  	_ =	swait.ge [sflag:s12], $0x4000  }
0x2b: {  	s19 =	smov.u32 s21;
	[sflag:s12] =	ssyncset.done $0x0  }
0x2c: {  	s18 =	sshra.s32 s18, $0x2;
	[sflag:s12] =	ssyncadd.s32 $0xFFFFC000  }
0x2d: {  	[tilespmem:s15], [sflag:$0x1] =	stream.indirect.gather [hbm4b:s4+s14], $0x80, s18, s14, $0xb8;
	[tilespmem:$0x1D000] =	vst v63  }
0x2e: {  	_ =	swait.ge [sflag:s16], $0x4000  }
0x2f: {  	[sflag:s16] =	ssyncset.done $0x0  }
0x30: {  	s18 =	sadd.s32 $0x2800, s18;
	[sflag:s16] =	ssyncadd.s32 $0xFFFFC000  }
0x31: {  	[spmem:s2] =	stream.indirect.scatter.add.f32 [tilespmem:s15], [sflag:$0x2], $0x80, s18, s14, $0xb8;
	[tilespmem:$0x1D000] =	vst v63  }
0x32: {  	_ =	swait.ge [sflag:s12], $0x4000  }
0x33: {  	s17 =	sadd.s32 $0x1, s17;
	[sflag:s12] =	ssyncset.done $0x0  }
0x34: {  	p0 =	sne.s32 s17, s10;
	[sflag:s12] =	ssyncadd.s32 $0xFFFFC000  }
.Ltmp1:
0x35: {  	[bflag:$0x0] =	sbarrier.arrive $0xFFFF;
	(pc) =	sbr.rel @p0 .LBB2_1-.Ltmp1, $4  }
0x36: {  	[hbm:s9], [sflag:s6] =	dma.local [spmem:s11], $0x2800  }
0x37: {  	_ =	swait.ge [sflag:s12], $0x2800  }
0x38: {  	[sflag:s12] =	ssyncset.done $0x0  }
0x39: {  	[sflag:s12] =	ssyncadd.s32 $0xFFFFD800  }
0x3a: {  	_ =	sfence.sel $0x180000  }
0x3b: {  	[bflag:$0x0] =	sbarrier.arrive $0xFFFF  }
0x3c: {  	p0 =	sne.s32 s0, $0x0;
	_ =	strace $0x9000004D  }
0x3d: {  	s0 =	sadd.s32 @!p0 $0x100000, s1;
	[bflag:$0x2] =	sbarrier.arrive $0xFFFF  }
0x3e: {  	[sflag:s0] =	ssyncadd.tile.s32 @!p0 $0x1;
	_ =	shalt  }
.Lfunc_end2:
_tile_overlayer_lowered:
.L_overlay_start_2:
0x3f: {  	(tag) =	ssettag $0x2  }
0x40: {  	s0 =	rddreg [dreg:$0x0];
	s2 =	stileid.u32  }
0x41: {  	s1 =	rddreg [dreg:$0x1];
	p0 =	sne.s32 s2, $0x0  }
0x42: {  	s3 =	rddreg [dreg:$0x2];
	[bflag:$0x3] =	sbarrier.arrive $0xFFFF;
	s2 =	simm.s32 @!p0 $0x1C02  }
0x43: {  	[timem:s3], [sflag:s2] =	dma.local @!p0 [hbm:s0], s1  }
0x44: {  	s0 =	simm.s32 @!p0 $0x2  }
0x45: {  	_ =	swait.ge @!p0 [sflag:s0], s1  }
0x46: {  	s1 =	ssub.s32 @!p0 $0x0, s1;
	[sflag:s0] =	ssyncset.done @!p0 $0x0  }
0x47: {  	[sflag:s0] =	ssyncadd.s32 @!p0 s1  }
0x48: {  	[bflag:$0x3] =	sbarrier.arrive $0xFFFF  }
0x49: {  	_ =	shalt  }

</sc_bundles>
